<compile_context>
chip_gen: v7x
topology: tpu7x:2x2x1
jax: 0.10.2.dev20260603
libtpu: 0.0.44.dev20260713+nightly
codegen_flags: <defaults>
</compile_context>

<pallas_src>
import functools

import jax
import jax.numpy as jnp
from jax import lax
from jax.experimental import pallas as pl
from jax.experimental.pallas import tpu as pltpu
from jax.experimental.pallas import tpu_sc as plsc

N_FIELDS = 26
VOCAB = 100000
EMB = 16
BATCH = 4096

_NW = 32
_CW = 128
_CHUNKS = (N_FIELDS * BATCH) // (_NW * _CW)


_CPAD = 32


def _sc_gather(tables_flat, idx):
    mesh = plsc.VectorSubcoreMesh(core_axis_name="c", subcore_axis_name="s")

    @functools.partial(
        pl.kernel,
        mesh=mesh,
        out_type=jax.ShapeDtypeStruct((_NW * _CHUNKS, _CW, EMB), jnp.float32),
        scratch_types=[
            pltpu.VMEM((_CPAD, _CW), jnp.int32),
            pltpu.VMEM((_CHUNKS, _CW, EMB), jnp.float32),
            pltpu.SemaphoreType.DMA,
        ],
        compiler_params=pltpu.CompilerParams(use_tc_tiling_on_sc=False),
    )
    def gather_kernel(tab_hbm, idx_hbm, out_hbm, idx_v, rows_v, sem):
        wid = lax.axis_index("s") * 2 + lax.axis_index("c")
        pltpu.sync_copy(idx_hbm.at[pl.ds(wid * _CPAD, _CPAD)], idx_v)
        copies = [
            pltpu.async_copy(tab_hbm.at[idx_v.at[j]], rows_v.at[j], sem)
            for j in range(_CHUNKS)
        ]
        for cp in copies:
            cp.wait()
        pltpu.sync_copy(rows_v, out_hbm.at[pl.ds(wid * _CHUNKS, _CHUNKS)])

    return gather_kernel(tables_flat, idx)


def _interact_body(v_ref, m_ref, w_ref, b_ref, o_ref):
    v = v_ref[...]
    a = jnp.dot(v, m_ref[...], preferred_element_type=jnp.float32)
    a = a + w_ref[...]
    o_ref[...] = jnp.sum(v * a, axis=1, keepdims=True) + b_ref[0]


def _interact(v, m, lin_w, bias):
    blk = 512
    return pl.pallas_call(
        _interact_body,
        grid=(BATCH // blk,),
        in_specs=[
            pl.BlockSpec((blk, N_FIELDS * EMB), lambda i: (i, 0)),
            pl.BlockSpec((N_FIELDS * EMB, N_FIELDS * EMB), lambda i: (0, 0)),
            pl.BlockSpec((1, N_FIELDS * EMB), lambda i: (0, 0)),
            pl.BlockSpec(memory_space=pltpu.SMEM),
        ],
        out_specs=pl.BlockSpec((blk, 1), lambda i: (i, 0)),
        out_shape=jax.ShapeDtypeStruct((BATCH, 1), jnp.float32),
    )(v, m, lin_w, bias)


def kernel(fields, tables, lin_w, r, bias):
    f2 = fields.reshape(N_FIELDS, BATCH).astype(jnp.int32)
    offs = (jnp.arange(N_FIELDS, dtype=jnp.int32) * VOCAB)[:, None]
    idx = (f2 + offs).T.reshape(_NW, _CHUNKS, _CW)
    idx = jnp.pad(idx, ((0, 0), (0, _CPAD - _CHUNKS), (0, 0)))
    idx = idx.reshape(_NW * _CPAD, _CW)
    tables_flat = tables.reshape(N_FIELDS * VOCAB, EMB)
    rows = _sc_gather(tables_flat, idx)
    v = rows.reshape(BATCH, N_FIELDS * EMB)
    m = jnp.kron(jnp.triu(r, 1), jnp.eye(EMB, dtype=r.dtype))
    out = _interact(v, m, lin_w, bias.astype(jnp.float32))
    return out.reshape(BATCH)

# --- scband reference (transcript-rebuilt; emitter-appended) ---
"""Pipeline reference for scband-fwfm-5557687681589 (READ-ONLY COPY).

The authoritative reference and input builder live on the scoring server;
editing this copy changes nothing except your own understanding.
"""

import jax, jax.numpy as jnp
import numpy as np

N_FIELDS = 26
VOCAB = 100000
EMB = 16
BATCH = 4096


def setup_inputs(seed: int = 0) -> dict:
    key = jax.random.key(seed)
    k1, k2, k3, k4 = jax.random.split(key, 4)
    # fields: single int tensor [n_fields, batch, 1]; iterating over dim 0 mimics
    # the torch list-of-fields semantics (each field is idx[batch, 1]).
    fields = jax.random.randint(k1, (N_FIELDS, BATCH, 1), 0, VOCAB)
    # per-field embedding tables, init std=0.01 (stacked into one array)
    tables = jax.random.normal(k2, (N_FIELDS, VOCAB, EMB), dtype=jnp.float32) * 0.01
    # nn.Linear(n_fields*emb_dim, 1, bias=False), init std=1.0
    lin_w = jax.random.normal(k3, (1, N_FIELDS * EMB), dtype=jnp.float32)
    # field-pair interaction weights r [n_fields, n_fields], init std=1.0
    r = jax.random.normal(k4, (N_FIELDS, N_FIELDS), dtype=jnp.float32)
    bias = jnp.zeros((1,), dtype=jnp.float32)
    return {"fields": fields, "tables": tables, "lin_w": lin_w, "r": r, "bias": bias}


def reference(fields, tables, lin_w, r, bias):
    # get_emb per field: table[idx] -> [B, 1, EMB], sum over -2 keepdim -> [B, 1, EMB]
    # vmap over the field axis, producing [F, B, EMB]
    def _emb(t, f):
        return jnp.take(t, f, axis=0).sum(axis=-2)
    vecs = jax.vmap(_emb)(tables, fields)  # [F, B, EMB]
    vecs = jnp.transpose(vecs, (1, 0, 2))  # [B, F, EMB] (torch.cat over dim=-2)
    r_triu = jnp.triu(r, 1)
    lin = (vecs.reshape(vecs.shape[0], -1) @ lin_w.T).squeeze(-1)  # [B]
    pwise = (jnp.matmul(vecs, jnp.swapaxes(vecs, -1, -2)) * r_triu).sum(axis=(-1, -2))  # [B]
    return bias + lin + pwise

if __name__ == "__main__":
    import jax
    _d = setup_inputs()
    print(jax.jit(kernel)(*tuple(_d.values())))

</pallas_src>

<mosaic_0001>
#map = affine_map<(d0, d1) -> (0, 0)>
#map1 = affine_map<(d0, d1) -> (0, 0, 0)>
module attributes {stable_mosaic.version = 14 : i64} {
  func.func @gather_kernel(%arg0: i32, %arg1: i32, %arg2: memref<2600000x16xf32, #tpu.memory_space<hbm>>, %arg3: memref<1024x128xi32, #tpu.memory_space<hbm>>, %arg4: memref<832x128x16xf32, #tpu.memory_space<hbm>>, %arg5: memref<32x128xi32, #tpu.memory_space<vmem>>, %arg6: memref<26x128x16xf32, #tpu.memory_space<vmem>>, %arg7: memref<!tpu.dma_semaphore, #tpu.memory_space<semaphore_mem>>) attributes {dimension_semantics = [#tpu.dimension_semantics<core_parallel>, #tpu.dimension_semantics<subcore_parallel>], iteration_bounds = array<i64: 2, 16>, scalar_prefetch = 0 : i64, scratch_operands = 3 : i64, tpu.core_type = #tpu.core_type<sc_vector_subcore>, window_params = [{transform_indices = #map}, {transform_indices = #map}, {transform_indices = #map1}]} {
    %mul3A = arith.constant 2 : i32
    %mul3A_0 = arith.muli %arg1, %mul3A : i32
    %add3A = arith.addi %mul3A_0, %arg0 : i32
    %mul3A_1 = arith.constant 32 : i32
    %mul3A_2 = arith.muli %add3A, %mul3A_1 : i32
    "tpu.region"() ({
      %run_scoped3A = tpu.sem_alloc : memref<!tpu.dma_semaphore, #tpu.memory_space<semaphore_mem>>
      %dma_start3A_627 = arith.constant 0 : i32
      %dma_start3A_628 = tpu.memref_slice %arg3[%mul3A_2, %dma_start3A_627] : memref<1024x128xi32, #tpu.memory_space<hbm>> -> memref<32x128xi32, #tpu.memory_space<hbm>>
      %dma_start3A_629 = arith.constant 0 : i32
      %dma_start3A_630 = tpu.memref_slice %arg3[%mul3A_2, %dma_start3A_629] : memref<1024x128xi32, #tpu.memory_space<hbm>> -> memref<32x128xi32, #tpu.memory_space<hbm>>
      tpu.enqueue_dma source(%dma_start3A_630 : memref<32x128xi32, #tpu.memory_space<hbm>>) target(%arg5 : memref<32x128xi32, #tpu.memory_space<vmem>>) target_semaphore(%run_scoped3A : memref<!tpu.dma_semaphore, #tpu.memory_space<semaphore_mem>>)
      %dma_wait3A_631 = arith.constant 0 : i32
      %dma_wait3A_632 = tpu.memref_slice %arg3[%mul3A_2, %dma_wait3A_631] : memref<1024x128xi32, #tpu.memory_space<hbm>> -> memref<32x128xi32, #tpu.memory_space<hbm>>
      %dma_wait3A_633 = arith.constant 0 : i32
      %dma_wait3A_634 = tpu.memref_slice %arg3[%mul3A_2, %dma_wait3A_633] : memref<1024x128xi32, #tpu.memory_space<hbm>> -> memref<32x128xi32, #tpu.memory_space<hbm>>
      tpu.wait_dma2 semaphore(%run_scoped3A : memref<!tpu.dma_semaphore, #tpu.memory_space<semaphore_mem>>) src(%dma_wait3A_634 : memref<32x128xi32, #tpu.memory_space<hbm>>) dst(%arg5 : memref<32x128xi32, #tpu.memory_space<vmem>>)
      tpu.yield
    }) : () -> ()
    %dma_start3A = arith.constant 0 : i32
    %dma_start3A_3 = arith.constant 0 : i32
    %dma_start3A_4 = arith.constant 0 : i32
    %dma_start3A_5 = arith.constant 0 : i32
    %dma_start3A_6 = tpu.memref_slice %arg6[%dma_start3A_3, %dma_start3A_4, %dma_start3A_5] : memref<26x128x16xf32, #tpu.memory_space<vmem>> -> memref<1x128x16xf32, #tpu.memory_space<vmem>>
    %dma_start3A_7 = tpu.memref_squeeze %dma_start3A_6 : memref<1x128x16xf32, #tpu.memory_space<vmem>> -> memref<128x16xf32, #tpu.memory_space<vmem>>
    %dma_start3A_8 = arith.constant 0 : i32
    %dma_start3A_9 = tpu.memref_slice %arg5[%dma_start3A, %dma_start3A_8] : memref<32x128xi32, #tpu.memory_space<vmem>> -> memref<1x128xi32, #tpu.memory_space<vmem>>
    %dma_start3A_10 = tpu.memref_squeeze %dma_start3A_9 : memref<1x128xi32, #tpu.memory_space<vmem>> -> memref<128xi32, #tpu.memory_space<vmem>>
    %dma_start3A_11 = arith.constant 0 : i32
    %dma_start3A_12 = arith.constant 0 : i32
    %dma_start3A_13 = tpu.memref_slice %arg2[%dma_start3A_11, %dma_start3A_12] : memref<2600000x16xf32, #tpu.memory_space<hbm>> -> memref<2600000x16xf32, #tpu.memory_space<hbm>>
    tpu.enqueue_indirect_dma source(%dma_start3A_13 : memref<2600000x16xf32, #tpu.memory_space<hbm>>) target(%dma_start3A_7 : memref<128x16xf32, #tpu.memory_space<vmem>>) offsets(%dma_start3A_10 : memref<128xi32, #tpu.memory_space<vmem>>) semaphore(%arg7 : memref<!tpu.dma_semaphore, #tpu.memory_space<semaphore_mem>>)
    %dma_start3A_14 = arith.constant 1 : i32
    %dma_start3A_15 = arith.constant 1 : i32
    %dma_start3A_16 = arith.constant 0 : i32
    %dma_start3A_17 = arith.constant 0 : i32
    %dma_start3A_18 = tpu.memref_slice %arg6[%dma_start3A_15, %dma_start3A_16, %dma_start3A_17] : memref<26x128x16xf32, #tpu.memory_space<vmem>> -> memref<1x128x16xf32, #tpu.memory_space<vmem>>
    %dma_start3A_19 = tpu.memref_squeeze %dma_start3A_18 : memref<1x128x16xf32, #tpu.memory_space<vmem>> -> memref<128x16xf32, #tpu.memory_space<vmem>>
    %dma_start3A_20 = arith.constant 0 : i32
    %dma_start3A_21 = tpu.memref_slice %arg5[%dma_start3A_14, %dma_start3A_20] : memref<32x128xi32, #tpu.memory_space<vmem>> -> memref<1x128xi32, #tpu.memory_space<vmem>>
    %dma_start3A_22 = tpu.memref_squeeze %dma_start3A_21 : memref<1x128xi32, #tpu.memory_space<vmem>> -> memref<128xi32, #tpu.memory_space<vmem>>
    %dma_start3A_23 = arith.constant 0 : i32
    %dma_start3A_24 = arith.constant 0 : i32
    %dma_start3A_25 = tpu.memref_slice %arg2[%dma_start3A_23, %dma_start3A_24] : memref<2600000x16xf32, #tpu.memory_space<hbm>> -> memref<2600000x16xf32, #tpu.memory_space<hbm>>
    tpu.enqueue_indirect_dma source(%dma_start3A_25 : memref<2600000x16xf32, #tpu.memory_space<hbm>>) target(%dma_start3A_19 : memref<128x16xf32, #tpu.memory_space<vmem>>) offsets(%dma_start3A_22 : memref<128xi32, #tpu.memory_space<vmem>>) semaphore(%arg7 : memref<!tpu.dma_semaphore, #tpu.memory_space<semaphore_mem>>)
    %dma_start3A_26 = arith.constant 2 : i32
    %dma_start3A_27 = arith.constant 2 : i32
    %dma_start3A_28 = arith.constant 0 : i32
    %dma_start3A_29 = arith.constant 0 : i32
    %dma_start3A_30 = tpu.memref_slice %arg6[%dma_start3A_27, %dma_start3A_28, %dma_start3A_29] : memref<26x128x16xf32, #tpu.memory_space<vmem>> -> memref<1x128x16xf32, #tpu.memory_space<vmem>>
    %dma_start3A_31 = tpu.memref_squeeze %dma_start3A_30 : memref<1x128x16xf32, #tpu.memory_space<vmem>> -> memref<128x16xf32, #tpu.memory_space<vmem>>
    %dma_start3A_32 = arith.constant 0 : i32
    %dma_start3A_33 = tpu.memref_slice %arg5[%dma_start3A_26, %dma_start3A_32] : memref<32x128xi32, #tpu.memory_space<vmem>> -> memref<1x128xi32, #tpu.memory_space<vmem>>
    %dma_start3A_34 = tpu.memref_squeeze %dma_start3A_33 : memref<1x128xi32, #tpu.memory_space<vmem>> -> memref<128xi32, #tpu.memory_space<vmem>>
    %dma_start3A_35 = arith.constant 0 : i32
    %dma_start3A_36 = arith.constant 0 : i32
    %dma_start3A_37 = tpu.memref_slice %arg2[%dma_start3A_35, %dma_start3A_36] : memref<2600000x16xf32, #tpu.memory_space<hbm>> -> memref<2600000x16xf32, #tpu.memory_space<hbm>>
    tpu.enqueue_indirect_dma source(%dma_start3A_37 : memref<2600000x16xf32, #tpu.memory_space<hbm>>) target(%dma_start3A_31 : memref<128x16xf32, #tpu.memory_space<vmem>>) offsets(%dma_start3A_34 : memref<128xi32, #tpu.memory_space<vmem>>) semaphore(%arg7 : memref<!tpu.dma_semaphore, #tpu.memory_space<semaphore_mem>>)
    %dma_start3A_38 = arith.constant 3 : i32
    %dma_start3A_39 = arith.constant 3 : i32
    %dma_start3A_40 = arith.constant 0 : i32
    %dma_start3A_41 = arith.constant 0 : i32
    %dma_start3A_42 = tpu.memref_slice %arg6[%dma_start3A_39, %dma_start3A_40, %dma_start3A_41] : memref<26x128x16xf32, #tpu.memory_space<vmem>> -> memref<1x128x16xf32, #tpu.memory_space<vmem>>
    %dma_start3A_43 = tpu.memref_squeeze %dma_start3A_42 : memref<1x128x16xf32, #tpu.memory_space<vmem>> -> memref<128x16xf32, #tpu.memory_space<vmem>>
    %dma_start3A_44 = arith.constant 0 : i32
    %dma_start3A_45 = tpu.memref_slice %arg5[%dma_start3A_38, %dma_start3A_44] : memref<32x128xi32, #tpu.memory_space<vmem>> -> memref<1x128xi32, #tpu.memory_space<vmem>>
    %dma_start3A_46 = tpu.memref_squeeze %dma_start3A_45 : memref<1x128xi32, #tpu.memory_space<vmem>> -> memref<128xi32, #tpu.memory_space<vmem>>
    %dma_start3A_47 = arith.constant 0 : i32
    %dma_start3A_48 = arith.constant 0 : i32
    %dma_start3A_49 = tpu.memref_slice %arg2[%dma_start3A_47, %dma_start3A_48] : memref<2600000x16xf32, #tpu.memory_space<hbm>> -> memref<2600000x16xf32, #tpu.memory_space<hbm>>
    tpu.enqueue_indirect_dma source(%dma_start3A_49 : memref<2600000x16xf32, #tpu.memory_space<hbm>>) target(%dma_start3A_43 : memref<128x16xf32, #tpu.memory_space<vmem>>) offsets(%dma_start3A_46 : memref<128xi32, #tpu.memory_space<vmem>>) semaphore(%arg7 : memref<!tpu.dma_semaphore, #tpu.memory_space<semaphore_mem>>)
    %dma_start3A_50 = arith.constant 4 : i32
    %dma_start3A_51 = arith.constant 4 : i32
    %dma_start3A_52 = arith.constant 0 : i32
    %dma_start3A_53 = arith.constant 0 : i32
    %dma_start3A_54 = tpu.memref_slice %arg6[%dma_start3A_51, %dma_start3A_52, %dma_start3A_53] : memref<26x128x16xf32, #tpu.memory_space<vmem>> -> memref<1x128x16xf32, #tpu.memory_space<vmem>>
    %dma_start3A_55 = tpu.memref_squeeze %dma_start3A_54 : memref<1x128x16xf32, #tpu.memory_space<vmem>> -> memref<128x16xf32, #tpu.memory_space<vmem>>
    %dma_start3A_56 = arith.constant 0 : i32
    %dma_start3A_57 = tpu.memref_slice %arg5[%dma_start3A_50, %dma_start3A_56] : memref<32x128xi32, #tpu.memory_space<vmem>> -> memref<1x128xi32, #tpu.memory_space<vmem>>
    %dma_start3A_58 = tpu.memref_squeeze %dma_start3A_57 : memref<1x128xi32, #tpu.memory_space<vmem>> -> memref<128xi32, #tpu.memory_space<vmem>>
    %dma_start3A_59 = arith.constant 0 : i32
    %dma_start3A_60 = arith.constant 0 : i32
    %dma_start3A_61 = tpu.memref_slice %arg2[%dma_start3A_59, %dma_start3A_60] : memref<2600000x16xf32, #tpu.memory_space<hbm>> -> memref<2600000x16xf32, #tpu.memory_space<hbm>>
    tpu.enqueue_indirect_dma source(%dma_start3A_61 : memref<2600000x16xf32, #tpu.memory_space<hbm>>) target(%dma_start3A_55 : memref<128x16xf32, #tpu.memory_space<vmem>>) offsets(%dma_start3A_58 : memref<128xi32, #tpu.memory_space<vmem>>) semaphore(%arg7 : memref<!tpu.dma_semaphore, #tpu.memory_space<semaphore_mem>>)
    %dma_start3A_62 = arith.constant 5 : i32
    %dma_start3A_63 = arith.constant 5 : i32
    %dma_start3A_64 = arith.constant 0 : i32
    %dma_start3A_65 = arith.constant 0 : i32
    %dma_start3A_66 = tpu.memref_slice %arg6[%dma_start3A_63, %dma_start3A_64, %dma_start3A_65] : memref<26x128x16xf32, #tpu.memory_space<vmem>> -> memref<1x128x16xf32, #tpu.memory_space<vmem>>
    %dma_start3A_67 = tpu.memref_squeeze %dma_start3A_66 : memref<1x128x16xf32, #tpu.memory_space<vmem>> -> memref<128x16xf32, #tpu.memory_space<vmem>>
    %dma_start3A_68 = arith.constant 0 : i32
    %dma_start3A_69 = tpu.memref_slice %arg5[%dma_start3A_62, %dma_start3A_68] : memref<32x128xi32, #tpu.memory_space<vmem>> -> memref<1x128xi32, #tpu.memory_space<vmem>>
    %dma_start3A_70 = tpu.memref_squeeze %dma_start3A_69 : memref<1x128xi32, #tpu.memory_space<vmem>> -> memref<128xi32, #tpu.memory_space<vmem>>
    %dma_start3A_71 = arith.constant 0 : i32
    %dma_start3A_72 = arith.constant 0 : i32
    %dma_start3A_73 = tpu.memref_slice %arg2[%dma_start3A_71, %dma_start3A_72] : memref<2600000x16xf32, #tpu.memory_space<hbm>> -> memref<2600000x16xf32, #tpu.memory_space<hbm>>
    tpu.enqueue_indirect_dma source(%dma_start3A_73 : memref<2600000x16xf32, #tpu.memory_space<hbm>>) target(%dma_start3A_67 : memref<128x16xf32, #tpu.memory_space<vmem>>) offsets(%dma_start3A_70 : memref<128xi32, #tpu.memory_space<vmem>>) semaphore(%arg7 : memref<!tpu.dma_semaphore, #tpu.memory_space<semaphore_mem>>)
    %dma_start3A_74 = arith.constant 6 : i32
    %dma_start3A_75 = arith.constant 6 : i32
    %dma_start3A_76 = arith.constant 0 : i32
    %dma_start3A_77 = arith.constant 0 : i32
    %dma_start3A_78 = tpu.memref_slice %arg6[%dma_start3A_75, %dma_start3A_76, %dma_start3A_77] : memref<26x128x16xf32, #tpu.memory_space<vmem>> -> memref<1x128x16xf32, #tpu.memory_space<vmem>>
    %dma_start3A_79 = tpu.memref_squeeze %dma_start3A_78 : memref<1x128x16xf32, #tpu.memory_space<vmem>> -> memref<128x16xf32, #tpu.memory_space<vmem>>
    %dma_start3A_80 = arith.constant 0 : i32
    %dma_start3A_81 = tpu.memref_slice %arg5[%dma_start3A_74, %dma_start3A_80] : memref<32x128xi32, #tpu.memory_space<vmem>> -> memref<1x128xi32, #tpu.memory_space<vmem>>
    %dma_start3A_82 = tpu.memref_squeeze %dma_start3A_81 : memref<1x128xi32, #tpu.memory_space<vmem>> -> memref<128xi32, #tpu.memory_space<vmem>>
    %dma_start3A_83 = arith.constant 0 : i32
    %dma_start3A_84 = arith.constant 0 : i32
    %dma_start3A_85 = tpu.memref_slice %arg2[%dma_start3A_83, %dma_start3A_84] : memref<2600000x16xf32, #tpu.memory_space<hbm>> -> memref<2600000x16xf32, #tpu.memory_space<hbm>>
    tpu.enqueue_indirect_dma source(%dma_start3A_85 : memref<2600000x16xf32, #tpu.memory_space<hbm>>) target(%dma_start3A_79 : memref<128x16xf32, #tpu.memory_space<vmem>>) offsets(%dma_start3A_82 : memref<128xi32, #tpu.memory_space<vmem>>) semaphore(%arg7 : memref<!tpu.dma_semaphore, #tpu.memory_space<semaphore_mem>>)
    %dma_start3A_86 = arith.constant 7 : i32
    %dma_start3A_87 = arith.constant 7 : i32
    %dma_start3A_88 = arith.constant 0 : i32
    %dma_start3A_89 = arith.constant 0 : i32
    %dma_start3A_90 = tpu.memref_slice %arg6[%dma_start3A_87, %dma_start3A_88, %dma_start3A_89] : memref<26x128x16xf32, #tpu.memory_space<vmem>> -> memref<1x128x16xf32, #tpu.memory_space<vmem>>
    %dma_start3A_91 = tpu.memref_squeeze %dma_start3A_90 : memref<1x128x16xf32, #tpu.memory_space<vmem>> -> memref<128x16xf32, #tpu.memory_space<vmem>>
    %dma_start3A_92 = arith.constant 0 : i32
    %dma_start3A_93 = tpu.memref_slice %arg5[%dma_start3A_86, %dma_start3A_92] : memref<32x128xi32, #tpu.memory_space<vmem>> -> memref<1x128xi32, #tpu.memory_space<vmem>>
    %dma_start3A_94 = tpu.memref_squeeze %dma_start3A_93 : memref<1x128xi32, #tpu.memory_space<vmem>> -> memref<128xi32, #tpu.memory_space<vmem>>
    %dma_start3A_95 = arith.constant 0 : i32
    %dma_start3A_96 = arith.constant 0 : i32
    %dma_start3A_97 = tpu.memref_slice %arg2[%dma_start3A_95, %dma_start3A_96] : memref<2600000x16xf32, #tpu.memory_space<hbm>> -> memref<2600000x16xf32, #tpu.memory_space<hbm>>
    tpu.enqueue_indirect_dma source(%dma_start3A_97 : memref<2600000x16xf32, #tpu.memory_space<hbm>>) target(%dma_start3A_91 : memref<128x16xf32, #tpu.memory_space<vmem>>) offsets(%dma_start3A_94 : memref<128xi32, #tpu.memory_space<vmem>>) semaphore(%arg7 : memref<!tpu.dma_semaphore, #tpu.memory_space<semaphore_mem>>)
    %dma_start3A_98 = arith.constant 8 : i32
    %dma_start3A_99 = arith.constant 8 : i32
    %dma_start3A_100 = arith.constant 0 : i32
    %dma_start3A_101 = arith.constant 0 : i32
    %dma_start3A_102 = tpu.memref_slice %arg6[%dma_start3A_99, %dma_start3A_100, %dma_start3A_101] : memref<26x128x16xf32, #tpu.memory_space<vmem>> -> memref<1x128x16xf32, #tpu.memory_space<vmem>>
    %dma_start3A_103 = tpu.memref_squeeze %dma_start3A_102 : memref<1x128x16xf32, #tpu.memory_space<vmem>> -> memref<128x16xf32, #tpu.memory_space<vmem>>
    %dma_start3A_104 = arith.constant 0 : i32
    %dma_start3A_105 = tpu.memref_slice %arg5[%dma_start3A_98, %dma_start3A_104] : memref<32x128xi32, #tpu.memory_space<vmem>> -> memref<1x128xi32, #tpu.memory_space<vmem>>
    %dma_start3A_106 = tpu.memref_squeeze %dma_start3A_105 : memref<1x128xi32, #tpu.memory_space<vmem>> -> memref<128xi32, #tpu.memory_space<vmem>>
    %dma_start3A_107 = arith.constant 0 : i32
    %dma_start3A_108 = arith.constant 0 : i32
    %dma_start3A_109 = tpu.memref_slice %arg2[%dma_start3A_107, %dma_start3A_108] : memref<2600000x16xf32, #tpu.memory_space<hbm>> -> memref<2600000x16xf32, #tpu.memory_space<hbm>>
    tpu.enqueue_indirect_dma source(%dma_start3A_109 : memref<2600000x16xf32, #tpu.memory_space<hbm>>) target(%dma_start3A_103 : memref<128x16xf32, #tpu.memory_space<vmem>>) offsets(%dma_start3A_106 : memref<128xi32, #tpu.memory_space<vmem>>) semaphore(%arg7 : memref<!tpu.dma_semaphore, #tpu.memory_space<semaphore_mem>>)
    %dma_start3A_110 = arith.constant 9 : i32
    %dma_start3A_111 = arith.constant 9 : i32
    %dma_start3A_112 = arith.constant 0 : i32
    %dma_start3A_113 = arith.constant 0 : i32
    %dma_start3A_114 = tpu.memref_slice %arg6[%dma_start3A_111, %dma_start3A_112, %dma_start3A_113] : memref<26x128x16xf32, #tpu.memory_space<vmem>> -> memref<1x128x16xf32, #tpu.memory_space<vmem>>
    %dma_start3A_115 = tpu.memref_squeeze %dma_start3A_114 : memref<1x128x16xf32, #tpu.memory_space<vmem>> -> memref<128x16xf32, #tpu.memory_space<vmem>>
    %dma_start3A_116 = arith.constant 0 : i32
    %dma_start3A_117 = tpu.memref_slice %arg5[%dma_start3A_110, %dma_start3A_116] : memref<32x128xi32, #tpu.memory_space<vmem>> -> memref<1x128xi32, #tpu.memory_space<vmem>>
    %dma_start3A_118 = tpu.memref_squeeze %dma_start3A_117 : memref<1x128xi32, #tpu.memory_space<vmem>> -> memref<128xi32, #tpu.memory_space<vmem>>
    %dma_start3A_119 = arith.constant 0 : i32
    %dma_start3A_120 = arith.constant 0 : i32
    %dma_start3A_121 = tpu.memref_slice %arg2[%dma_start3A_119, %dma_start3A_120] : memref<2600000x16xf32, #tpu.memory_space<hbm>> -> memref<2600000x16xf32, #tpu.memory_space<hbm>>
    tpu.enqueue_indirect_dma source(%dma_start3A_121 : memref<2600000x16xf32, #tpu.memory_space<hbm>>) target(%dma_start3A_115 : memref<128x16xf32, #tpu.memory_space<vmem>>) offsets(%dma_start3A_118 : memref<128xi32, #tpu.memory_space<vmem>>) semaphore(%arg7 : memref<!tpu.dma_semaphore, #tpu.memory_space<semaphore_mem>>)
    %dma_start3A_122 = arith.constant 10 : i32
    %dma_start3A_123 = arith.constant 10 : i32
    %dma_start3A_124 = arith.constant 0 : i32
    %dma_start3A_125 = arith.constant 0 : i32
    %dma_start3A_126 = tpu.memref_slice %arg6[%dma_start3A_123, %dma_start3A_124, %dma_start3A_125] : memref<26x128x16xf32, #tpu.memory_space<vmem>> -> memref<1x128x16xf32, #tpu.memory_space<vmem>>
    %dma_start3A_127 = tpu.memref_squeeze %dma_start3A_126 : memref<1x128x16xf32, #tpu.memory_space<vmem>> -> memref<128x16xf32, #tpu.memory_space<vmem>>
    %dma_start3A_128 = arith.constant 0 : i32
    %dma_start3A_129 = tpu.memref_slice %arg5[%dma_start3A_122, %dma_start3A_128] : memref<32x128xi32, #tpu.memory_space<vmem>> -> memref<1x128xi32, #tpu.memory_space<vmem>>
    %dma_start3A_130 = tpu.memref_squeeze %dma_start3A_129 : memref<1x128xi32, #tpu.memory_space<vmem>> -> memref<128xi32, #tpu.memory_space<vmem>>
    %dma_start3A_131 = arith.constant 0 : i32
    %dma_start3A_132 = arith.constant 0 : i32
    %dma_start3A_133 = tpu.memref_slice %arg2[%dma_start3A_131, %dma_start3A_132] : memref<2600000x16xf32, #tpu.memory_space<hbm>> -> memref<2600000x16xf32, #tpu.memory_space<hbm>>
    tpu.enqueue_indirect_dma source(%dma_start3A_133 : memref<2600000x16xf32, #tpu.memory_space<hbm>>) target(%dma_start3A_127 : memref<128x16xf32, #tpu.memory_space<vmem>>) offsets(%dma_start3A_130 : memref<128xi32, #tpu.memory_space<vmem>>) semaphore(%arg7 : memref<!tpu.dma_semaphore, #tpu.memory_space<semaphore_mem>>)
    %dma_start3A_134 = arith.constant 11 : i32
    %dma_start3A_135 = arith.constant 11 : i32
    %dma_start3A_136 = arith.constant 0 : i32
    %dma_start3A_137 = arith.constant 0 : i32
    %dma_start3A_138 = tpu.memref_slice %arg6[%dma_start3A_135, %dma_start3A_136, %dma_start3A_137] : memref<26x128x16xf32, #tpu.memory_space<vmem>> -> memref<1x128x16xf32, #tpu.memory_space<vmem>>
    %dma_start3A_139 = tpu.memref_squeeze %dma_start3A_138 : memref<1x128x16xf32, #tpu.memory_space<vmem>> -> memref<128x16xf32, #tpu.memory_space<vmem>>
    %dma_start3A_140 = arith.constant 0 : i32
    %dma_start3A_141 = tpu.memref_slice %arg5[%dma_start3A_134, %dma_start3A_140] : memref<32x128xi32, #tpu.memory_space<vmem>> -> memref<1x128xi32, #tpu.memory_space<vmem>>
    %dma_start3A_142 = tpu.memref_squeeze %dma_start3A_141 : memref<1x128xi32, #tpu.memory_space<vmem>> -> memref<128xi32, #tpu.memory_space<vmem>>
    %dma_start3A_143 = arith.constant 0 : i32
    %dma_start3A_144 = arith.constant 0 : i32
    %dma_start3A_145 = tpu.memref_slice %arg2[%dma_start3A_143, %dma_start3A_144] : memref<2600000x16xf32, #tpu.memory_space<hbm>> -> memref<2600000x16xf32, #tpu.memory_space<hbm>>
    tpu.enqueue_indirect_dma source(%dma_start3A_145 : memref<2600000x16xf32, #tpu.memory_space<hbm>>) target(%dma_start3A_139 : memref<128x16xf32, #tpu.memory_space<vmem>>) offsets(%dma_start3A_142 : memref<128xi32, #tpu.memory_space<vmem>>) semaphore(%arg7 : memref<!tpu.dma_semaphore, #tpu.memory_space<semaphore_mem>>)
    %dma_start3A_146 = arith.constant 12 : i32
    %dma_start3A_147 = arith.constant 12 : i32
    %dma_start3A_148 = arith.constant 0 : i32
    %dma_start3A_149 = arith.constant 0 : i32
    %dma_start3A_150 = tpu.memref_slice %arg6[%dma_start3A_147, %dma_start3A_148, %dma_start3A_149] : memref<26x128x16xf32, #tpu.memory_space<vmem>> -> memref<1x128x16xf32, #tpu.memory_space<vmem>>
    %dma_start3A_151 = tpu.memref_squeeze %dma_start3A_150 : memref<1x128x16xf32, #tpu.memory_space<vmem>> -> memref<128x16xf32, #tpu.memory_space<vmem>>
    %dma_start3A_152 = arith.constant 0 : i32
    %dma_start3A_153 = tpu.memref_slice %arg5[%dma_start3A_146, %dma_start3A_152] : memref<32x128xi32, #tpu.memory_space<vmem>> -> memref<1x128xi32, #tpu.memory_space<vmem>>
    %dma_start3A_154 = tpu.memref_squeeze %dma_start3A_153 : memref<1x128xi32, #tpu.memory_space<vmem>> -> memref<128xi32, #tpu.memory_space<vmem>>
    %dma_start3A_155 = arith.constant 0 : i32
    %dma_start3A_156 = arith.constant 0 : i32
    %dma_start3A_157 = tpu.memref_slice %arg2[%dma_start3A_155, %dma_start3A_156] : memref<2600000x16xf32, #tpu.memory_space<hbm>> -> memref<2600000x16xf32, #tpu.memory_space<hbm>>
    tpu.enqueue_indirect_dma source(%dma_start3A_157 : memref<2600000x16xf32, #tpu.memory_space<hbm>>) target(%dma_start3A_151 : memref<128x16xf32, #tpu.memory_space<vmem>>) offsets(%dma_start3A_154 : memref<128xi32, #tpu.memory_space<vmem>>) semaphore(%arg7 : memref<!tpu.dma_semaphore, #tpu.memory_space<semaphore_mem>>)
    %dma_start3A_158 = arith.constant 13 : i32
    %dma_start3A_159 = arith.constant 13 : i32
    %dma_start3A_160 = arith.constant 0 : i32
    %dma_start3A_161 = arith.constant 0 : i32
    %dma_start3A_162 = tpu.memref_slice %arg6[%dma_start3A_159, %dma_start3A_160, %dma_start3A_161] : memref<26x128x16xf32, #tpu.memory_space<vmem>> -> memref<1x128x16xf32, #tpu.memory_space<vmem>>
    %dma_start3A_163 = tpu.memref_squeeze %dma_start3A_162 : memref<1x128x16xf32, #tpu.memory_space<vmem>> -> memref<128x16xf32, #tpu.memory_space<vmem>>
    %dma_start3A_164 = arith.constant 0 : i32
    %dma_start3A_165 = tpu.memref_slice %arg5[%dma_start3A_158, %dma_start3A_164] : memref<32x128xi32, #tpu.memory_space<vmem>> -> memref<1x128xi32, #tpu.memory_space<vmem>>
    %dma_start3A_166 = tpu.memref_squeeze %dma_start3A_165 : memref<1x128xi32, #tpu.memory_space<vmem>> -> memref<128xi32, #tpu.memory_space<vmem>>
    %dma_start3A_167 = arith.constant 0 : i32
    %dma_start3A_168 = arith.constant 0 : i32
    %dma_start3A_169 = tpu.memref_slice %arg2[%dma_start3A_167, %dma_start3A_168] : memref<2600000x16xf32, #tpu.memory_space<hbm>> -> memref<2600000x16xf32, #tpu.memory_space<hbm>>
    tpu.enqueue_indirect_dma source(%dma_start3A_169 : memref<2600000x16xf32, #tpu.memory_space<hbm>>) target(%dma_start3A_163 : memref<128x16xf32, #tpu.memory_space<vmem>>) offsets(%dma_start3A_166 : memref<128xi32, #tpu.memory_space<vmem>>) semaphore(%arg7 : memref<!tpu.dma_semaphore, #tpu.memory_space<semaphore_mem>>)
    %dma_start3A_170 = arith.constant 14 : i32
    %dma_start3A_171 = arith.constant 14 : i32
    %dma_start3A_172 = arith.constant 0 : i32
    %dma_start3A_173 = arith.constant 0 : i32
    %dma_start3A_174 = tpu.memref_slice %arg6[%dma_start3A_171, %dma_start3A_172, %dma_start3A_173] : memref<26x128x16xf32, #tpu.memory_space<vmem>> -> memref<1x128x16xf32, #tpu.memory_space<vmem>>
    %dma_start3A_175 = tpu.memref_squeeze %dma_start3A_174 : memref<1x128x16xf32, #tpu.memory_space<vmem>> -> memref<128x16xf32, #tpu.memory_space<vmem>>
    %dma_start3A_176 = arith.constant 0 : i32
    %dma_start3A_177 = tpu.memref_slice %arg5[%dma_start3A_170, %dma_start3A_176] : memref<32x128xi32, #tpu.memory_space<vmem>> -> memref<1x128xi32, #tpu.memory_space<vmem>>
    %dma_start3A_178 = tpu.memref_squeeze %dma_start3A_177 : memref<1x128xi32, #tpu.memory_space<vmem>> -> memref<128xi32, #tpu.memory_space<vmem>>
    %dma_start3A_179 = arith.constant 0 : i32
    %dma_start3A_180 = arith.constant 0 : i32
    %dma_start3A_181 = tpu.memref_slice %arg2[%dma_start3A_179, %dma_start3A_180] : memref<2600000x16xf32, #tpu.memory_space<hbm>> -> memref<2600000x16xf32, #tpu.memory_space<hbm>>
    tpu.enqueue_indirect_dma source(%dma_start3A_181 : memref<2600000x16xf32, #tpu.memory_space<hbm>>) target(%dma_start3A_175 : memref<128x16xf32, #tpu.memory_space<vmem>>) offsets(%dma_start3A_178 : memref<128xi32, #tpu.memory_space<vmem>>) semaphore(%arg7 : memref<!tpu.dma_semaphore, #tpu.memory_space<semaphore_mem>>)
    %dma_start3A_182 = arith.constant 15 : i32
    %dma_start3A_183 = arith.constant 15 : i32
    %dma_start3A_184 = arith.constant 0 : i32
    %dma_start3A_185 = arith.constant 0 : i32
    %dma_start3A_186 = tpu.memref_slice %arg6[%dma_start3A_183, %dma_start3A_184, %dma_start3A_185] : memref<26x128x16xf32, #tpu.memory_space<vmem>> -> memref<1x128x16xf32, #tpu.memory_space<vmem>>
    %dma_start3A_187 = tpu.memref_squeeze %dma_start3A_186 : memref<1x128x16xf32, #tpu.memory_space<vmem>> -> memref<128x16xf32, #tpu.memory_space<vmem>>
    %dma_start3A_188 = arith.constant 0 : i32
    %dma_start3A_189 = tpu.memref_slice %arg5[%dma_start3A_182, %dma_start3A_188] : memref<32x128xi32, #tpu.memory_space<vmem>> -> memref<1x128xi32, #tpu.memory_space<vmem>>
    %dma_start3A_190 = tpu.memref_squeeze %dma_start3A_189 : memref<1x128xi32, #tpu.memory_space<vmem>> -> memref<128xi32, #tpu.memory_space<vmem>>
    %dma_start3A_191 = arith.constant 0 : i32
    %dma_start3A_192 = arith.constant 0 : i32
    %dma_start3A_193 = tpu.memref_slice %arg2[%dma_start3A_191, %dma_start3A_192] : memref<2600000x16xf32, #tpu.memory_space<hbm>> -> memref<2600000x16xf32, #tpu.memory_space<hbm>>
    tpu.enqueue_indirect_dma source(%dma_start3A_193 : memref<2600000x16xf32, #tpu.memory_space<hbm>>) target(%dma_start3A_187 : memref<128x16xf32, #tpu.memory_space<vmem>>) offsets(%dma_start3A_190 : memref<128xi32, #tpu.memory_space<vmem>>) semaphore(%arg7 : memref<!tpu.dma_semaphore, #tpu.memory_space<semaphore_mem>>)
    %dma_start3A_194 = arith.constant 16 : i32
    %dma_start3A_195 = arith.constant 16 : i32
    %dma_start3A_196 = arith.constant 0 : i32
    %dma_start3A_197 = arith.constant 0 : i32
    %dma_start3A_198 = tpu.memref_slice %arg6[%dma_start3A_195, %dma_start3A_196, %dma_start3A_197] : memref<26x128x16xf32, #tpu.memory_space<vmem>> -> memref<1x128x16xf32, #tpu.memory_space<vmem>>
    %dma_start3A_199 = tpu.memref_squeeze %dma_start3A_198 : memref<1x128x16xf32, #tpu.memory_space<vmem>> -> memref<128x16xf32, #tpu.memory_space<vmem>>
    %dma_start3A_200 = arith.constant 0 : i32
    %dma_start3A_201 = tpu.memref_slice %arg5[%dma_start3A_194, %dma_start3A_200] : memref<32x128xi32, #tpu.memory_space<vmem>> -> memref<1x128xi32, #tpu.memory_space<vmem>>
    %dma_start3A_202 = tpu.memref_squeeze %dma_start3A_201 : memref<1x128xi32, #tpu.memory_space<vmem>> -> memref<128xi32, #tpu.memory_space<vmem>>
    %dma_start3A_203 = arith.constant 0 : i32
    %dma_start3A_204 = arith.constant 0 : i32
    %dma_start3A_205 = tpu.memref_slice %arg2[%dma_start3A_203, %dma_start3A_204] : memref<2600000x16xf32, #tpu.memory_space<hbm>> -> memref<2600000x16xf32, #tpu.memory_space<hbm>>
    tpu.enqueue_indirect_dma source(%dma_start3A_205 : memref<2600000x16xf32, #tpu.memory_space<hbm>>) target(%dma_start3A_199 : memref<128x16xf32, #tpu.memory_space<vmem>>) offsets(%dma_start3A_202 : memref<128xi32, #tpu.memory_space<vmem>>) semaphore(%arg7 : memref<!tpu.dma_semaphore, #tpu.memory_space<semaphore_mem>>)
    %dma_start3A_206 = arith.constant 17 : i32
    %dma_start3A_207 = arith.constant 17 : i32
    %dma_start3A_208 = arith.constant 0 : i32
    %dma_start3A_209 = arith.constant 0 : i32
    %dma_start3A_210 = tpu.memref_slice %arg6[%dma_start3A_207, %dma_start3A_208, %dma_start3A_209] : memref<26x128x16xf32, #tpu.memory_space<vmem>> -> memref<1x128x16xf32, #tpu.memory_space<vmem>>
    %dma_start3A_211 = tpu.memref_squeeze %dma_start3A_210 : memref<1x128x16xf32, #tpu.memory_space<vmem>> -> memref<128x16xf32, #tpu.memory_space<vmem>>
    %dma_start3A_212 = arith.constant 0 : i32
    %dma_start3A_213 = tpu.memref_slice %arg5[%dma_start3A_206, %dma_start3A_212] : memref<32x128xi32, #tpu.memory_space<vmem>> -> memref<1x128xi32, #tpu.memory_space<vmem>>
    %dma_start3A_214 = tpu.memref_squeeze %dma_start3A_213 : memref<1x128xi32, #tpu.memory_space<vmem>> -> memref<128xi32, #tpu.memory_space<vmem>>
    %dma_start3A_215 = arith.constant 0 : i32
    %dma_start3A_216 = arith.constant 0 : i32
    %dma_start3A_217 = tpu.memref_slice %arg2[%dma_start3A_215, %dma_start3A_216] : memref<2600000x16xf32, #tpu.memory_space<hbm>> -> memref<2600000x16xf32, #tpu.memory_space<hbm>>
    tpu.enqueue_indirect_dma source(%dma_start3A_217 : memref<2600000x16xf32, #tpu.memory_space<hbm>>) target(%dma_start3A_211 : memref<128x16xf32, #tpu.memory_space<vmem>>) offsets(%dma_start3A_214 : memref<128xi32, #tpu.memory_space<vmem>>) semaphore(%arg7 : memref<!tpu.dma_semaphore, #tpu.memory_space<semaphore_mem>>)
    %dma_start3A_218 = arith.constant 18 : i32
    %dma_start3A_219 = arith.constant 18 : i32
    %dma_start3A_220 = arith.constant 0 : i32
    %dma_start3A_221 = arith.constant 0 : i32
    %dma_start3A_222 = tpu.memref_slice %arg6[%dma_start3A_219, %dma_start3A_220, %dma_start3A_221] : memref<26x128x16xf32, #tpu.memory_space<vmem>> -> memref<1x128x16xf32, #tpu.memory_space<vmem>>
    %dma_start3A_223 = tpu.memref_squeeze %dma_start3A_222 : memref<1x128x16xf32, #tpu.memory_space<vmem>> -> memref<128x16xf32, #tpu.memory_space<vmem>>
    %dma_start3A_224 = arith.constant 0 : i32
    %dma_start3A_225 = tpu.memref_slice %arg5[%dma_start3A_218, %dma_start3A_224] : memref<32x128xi32, #tpu.memory_space<vmem>> -> memref<1x128xi32, #tpu.memory_space<vmem>>
    %dma_start3A_226 = tpu.memref_squeeze %dma_start3A_225 : memref<1x128xi32, #tpu.memory_space<vmem>> -> memref<128xi32, #tpu.memory_space<vmem>>
    %dma_start3A_227 = arith.constant 0 : i32
    %dma_start3A_228 = arith.constant 0 : i32
    %dma_start3A_229 = tpu.memref_slice %arg2[%dma_start3A_227, %dma_start3A_228] : memref<2600000x16xf32, #tpu.memory_space<hbm>> -> memref<2600000x16xf32, #tpu.memory_space<hbm>>
    tpu.enqueue_indirect_dma source(%dma_start3A_229 : memref<2600000x16xf32, #tpu.memory_space<hbm>>) target(%dma_start3A_223 : memref<128x16xf32, #tpu.memory_space<vmem>>) offsets(%dma_start3A_226 : memref<128xi32, #tpu.memory_space<vmem>>) semaphore(%arg7 : memref<!tpu.dma_semaphore, #tpu.memory_space<semaphore_mem>>)
    %dma_start3A_230 = arith.constant 19 : i32
    %dma_start3A_231 = arith.constant 19 : i32
    %dma_start3A_232 = arith.constant 0 : i32
    %dma_start3A_233 = arith.constant 0 : i32
    %dma_start3A_234 = tpu.memref_slice %arg6[%dma_start3A_231, %dma_start3A_232, %dma_start3A_233] : memref<26x128x16xf32, #tpu.memory_space<vmem>> -> memref<1x128x16xf32, #tpu.memory_space<vmem>>
    %dma_start3A_235 = tpu.memref_squeeze %dma_start3A_234 : memref<1x128x16xf32, #tpu.memory_space<vmem>> -> memref<128x16xf32, #tpu.memory_space<vmem>>
    %dma_start3A_236 = arith.constant 0 : i32
    %dma_start3A_237 = tpu.memref_slice %arg5[%dma_start3A_230, %dma_start3A_236] : memref<32x128xi32, #tpu.memory_space<vmem>> -> memref<1x128xi32, #tpu.memory_space<vmem>>
    %dma_start3A_238 = tpu.memref_squeeze %dma_start3A_237 : memref<1x128xi32, #tpu.memory_space<vmem>> -> memref<128xi32, #tpu.memory_space<vmem>>
    %dma_start3A_239 = arith.constant 0 : i32
    %dma_start3A_240 = arith.constant 0 : i32
    %dma_start3A_241 = tpu.memref_slice %arg2[%dma_start3A_239, %dma_start3A_240] : memref<2600000x16xf32, #tpu.memory_space<hbm>> -> memref<2600000x16xf32, #tpu.memory_space<hbm>>
    tpu.enqueue_indirect_dma source(%dma_start3A_241 : memref<2600000x16xf32, #tpu.memory_space<hbm>>) target(%dma_start3A_235 : memref<128x16xf32, #tpu.memory_space<vmem>>) offsets(%dma_start3A_238 : memref<128xi32, #tpu.memory_space<vmem>>) semaphore(%arg7 : memref<!tpu.dma_semaphore, #tpu.memory_space<semaphore_mem>>)
    %dma_start3A_242 = arith.constant 20 : i32
    %dma_start3A_243 = arith.constant 20 : i32
    %dma_start3A_244 = arith.constant 0 : i32
    %dma_start3A_245 = arith.constant 0 : i32
    %dma_start3A_246 = tpu.memref_slice %arg6[%dma_start3A_243, %dma_start3A_244, %dma_start3A_245] : memref<26x128x16xf32, #tpu.memory_space<vmem>> -> memref<1x128x16xf32, #tpu.memory_space<vmem>>
    %dma_start3A_247 = tpu.memref_squeeze %dma_start3A_246 : memref<1x128x16xf32, #tpu.memory_space<vmem>> -> memref<128x16xf32, #tpu.memory_space<vmem>>
    %dma_start3A_248 = arith.constant 0 : i32
    %dma_start3A_249 = tpu.memref_slice %arg5[%dma_start3A_242, %dma_start3A_248] : memref<32x128xi32, #tpu.memory_space<vmem>> -> memref<1x128xi32, #tpu.memory_space<vmem>>
    %dma_start3A_250 = tpu.memref_squeeze %dma_start3A_249 : memref<1x128xi32, #tpu.memory_space<vmem>> -> memref<128xi32, #tpu.memory_space<vmem>>
    %dma_start3A_251 = arith.constant 0 : i32
    %dma_start3A_252 = arith.constant 0 : i32
    %dma_start3A_253 = tpu.memref_slice %arg2[%dma_start3A_251, %dma_start3A_252] : memref<2600000x16xf32, #tpu.memory_space<hbm>> -> memref<2600000x16xf32, #tpu.memory_space<hbm>>
    tpu.enqueue_indirect_dma source(%dma_start3A_253 : memref<2600000x16xf32, #tpu.memory_space<hbm>>) target(%dma_start3A_247 : memref<128x16xf32, #tpu.memory_space<vmem>>) offsets(%dma_start3A_250 : memref<128xi32, #tpu.memory_space<vmem>>) semaphore(%arg7 : memref<!tpu.dma_semaphore, #tpu.memory_space<semaphore_mem>>)
    %dma_start3A_254 = arith.constant 21 : i32
    %dma_start3A_255 = arith.constant 21 : i32
    %dma_start3A_256 = arith.constant 0 : i32
    %dma_start3A_257 = arith.constant 0 : i32
    %dma_start3A_258 = tpu.memref_slice %arg6[%dma_start3A_255, %dma_start3A_256, %dma_start3A_257] : memref<26x128x16xf32, #tpu.memory_space<vmem>> -> memref<1x128x16xf32, #tpu.memory_space<vmem>>
    %dma_start3A_259 = tpu.memref_squeeze %dma_start3A_258 : memref<1x128x16xf32, #tpu.memory_space<vmem>> -> memref<128x16xf32, #tpu.memory_space<vmem>>
    %dma_start3A_260 = arith.constant 0 : i32
    %dma_start3A_261 = tpu.memref_slice %arg5[%dma_start3A_254, %dma_start3A_260] : memref<32x128xi32, #tpu.memory_space<vmem>> -> memref<1x128xi32, #tpu.memory_space<vmem>>
    %dma_start3A_262 = tpu.memref_squeeze %dma_start3A_261 : memref<1x128xi32, #tpu.memory_space<vmem>> -> memref<128xi32, #tpu.memory_space<vmem>>
    %dma_start3A_263 = arith.constant 0 : i32
    %dma_start3A_264 = arith.constant 0 : i32
    %dma_start3A_265 = tpu.memref_slice %arg2[%dma_start3A_263, %dma_start3A_264] : memref<2600000x16xf32, #tpu.memory_space<hbm>> -> memref<2600000x16xf32, #tpu.memory_space<hbm>>
    tpu.enqueue_indirect_dma source(%dma_start3A_265 : memref<2600000x16xf32, #tpu.memory_space<hbm>>) target(%dma_start3A_259 : memref<128x16xf32, #tpu.memory_space<vmem>>) offsets(%dma_start3A_262 : memref<128xi32, #tpu.memory_space<vmem>>) semaphore(%arg7 : memref<!tpu.dma_semaphore, #tpu.memory_space<semaphore_mem>>)
    %dma_start3A_266 = arith.constant 22 : i32
    %dma_start3A_267 = arith.constant 22 : i32
    %dma_start3A_268 = arith.constant 0 : i32
    %dma_start3A_269 = arith.constant 0 : i32
    %dma_start3A_270 = tpu.memref_slice %arg6[%dma_start3A_267, %dma_start3A_268, %dma_start3A_269] : memref<26x128x16xf32, #tpu.memory_space<vmem>> -> memref<1x128x16xf32, #tpu.memory_space<vmem>>
    %dma_start3A_271 = tpu.memref_squeeze %dma_start3A_270 : memref<1x128x16xf32, #tpu.memory_space<vmem>> -> memref<128x16xf32, #tpu.memory_space<vmem>>
    %dma_start3A_272 = arith.constant 0 : i32
    %dma_start3A_273 = tpu.memref_slice %arg5[%dma_start3A_266, %dma_start3A_272] : memref<32x128xi32, #tpu.memory_space<vmem>> -> memref<1x128xi32, #tpu.memory_space<vmem>>
    %dma_start3A_274 = tpu.memref_squeeze %dma_start3A_273 : memref<1x128xi32, #tpu.memory_space<vmem>> -> memref<128xi32, #tpu.memory_space<vmem>>
    %dma_start3A_275 = arith.constant 0 : i32
    %dma_start3A_276 = arith.constant 0 : i32
    %dma_start3A_277 = tpu.memref_slice %arg2[%dma_start3A_275, %dma_start3A_276] : memref<2600000x16xf32, #tpu.memory_space<hbm>> -> memref<2600000x16xf32, #tpu.memory_space<hbm>>
    tpu.enqueue_indirect_dma source(%dma_start3A_277 : memref<2600000x16xf32, #tpu.memory_space<hbm>>) target(%dma_start3A_271 : memref<128x16xf32, #tpu.memory_space<vmem>>) offsets(%dma_start3A_274 : memref<128xi32, #tpu.memory_space<vmem>>) semaphore(%arg7 : memref<!tpu.dma_semaphore, #tpu.memory_space<semaphore_mem>>)
    %dma_start3A_278 = arith.constant 23 : i32
    %dma_start3A_279 = arith.constant 23 : i32
    %dma_start3A_280 = arith.constant 0 : i32
    %dma_start3A_281 = arith.constant 0 : i32
    %dma_start3A_282 = tpu.memref_slice %arg6[%dma_start3A_279, %dma_start3A_280, %dma_start3A_281] : memref<26x128x16xf32, #tpu.memory_space<vmem>> -> memref<1x128x16xf32, #tpu.memory_space<vmem>>
    %dma_start3A_283 = tpu.memref_squeeze %dma_start3A_282 : memref<1x128x16xf32, #tpu.memory_space<vmem>> -> memref<128x16xf32, #tpu.memory_space<vmem>>
    %dma_start3A_284 = arith.constant 0 : i32
    %dma_start3A_285 = tpu.memref_slice %arg5[%dma_start3A_278, %dma_start3A_284] : memref<32x128xi32, #tpu.memory_space<vmem>> -> memref<1x128xi32, #tpu.memory_space<vmem>>
    %dma_start3A_286 = tpu.memref_squeeze %dma_start3A_285 : memref<1x128xi32, #tpu.memory_space<vmem>> -> memref<128xi32, #tpu.memory_space<vmem>>
    %dma_start3A_287 = arith.constant 0 : i32
    %dma_start3A_288 = arith.constant 0 : i32
    %dma_start3A_289 = tpu.memref_slice %arg2[%dma_start3A_287, %dma_start3A_288] : memref<2600000x16xf32, #tpu.memory_space<hbm>> -> memref<2600000x16xf32, #tpu.memory_space<hbm>>
    tpu.enqueue_indirect_dma source(%dma_start3A_289 : memref<2600000x16xf32, #tpu.memory_space<hbm>>) target(%dma_start3A_283 : memref<128x16xf32, #tpu.memory_space<vmem>>) offsets(%dma_start3A_286 : memref<128xi32, #tpu.memory_space<vmem>>) semaphore(%arg7 : memref<!tpu.dma_semaphore, #tpu.memory_space<semaphore_mem>>)
    %dma_start3A_290 = arith.constant 24 : i32
    %dma_start3A_291 = arith.constant 24 : i32
    %dma_start3A_292 = arith.constant 0 : i32
    %dma_start3A_293 = arith.constant 0 : i32
    %dma_start3A_294 = tpu.memref_slice %arg6[%dma_start3A_291, %dma_start3A_292, %dma_start3A_293] : memref<26x128x16xf32, #tpu.memory_space<vmem>> -> memref<1x128x16xf32, #tpu.memory_space<vmem>>
    %dma_start3A_295 = tpu.memref_squeeze %dma_start3A_294 : memref<1x128x16xf32, #tpu.memory_space<vmem>> -> memref<128x16xf32, #tpu.memory_space<vmem>>
    %dma_start3A_296 = arith.constant 0 : i32
    %dma_start3A_297 = tpu.memref_slice %arg5[%dma_start3A_290, %dma_start3A_296] : memref<32x128xi32, #tpu.memory_space<vmem>> -> memref<1x128xi32, #tpu.memory_space<vmem>>
    %dma_start3A_298 = tpu.memref_squeeze %dma_start3A_297 : memref<1x128xi32, #tpu.memory_space<vmem>> -> memref<128xi32, #tpu.memory_space<vmem>>
    %dma_start3A_299 = arith.constant 0 : i32
    %dma_start3A_300 = arith.constant 0 : i32
    %dma_start3A_301 = tpu.memref_slice %arg2[%dma_start3A_299, %dma_start3A_300] : memref<2600000x16xf32, #tpu.memory_space<hbm>> -> memref<2600000x16xf32, #tpu.memory_space<hbm>>
    tpu.enqueue_indirect_dma source(%dma_start3A_301 : memref<2600000x16xf32, #tpu.memory_space<hbm>>) target(%dma_start3A_295 : memref<128x16xf32, #tpu.memory_space<vmem>>) offsets(%dma_start3A_298 : memref<128xi32, #tpu.memory_space<vmem>>) semaphore(%arg7 : memref<!tpu.dma_semaphore, #tpu.memory_space<semaphore_mem>>)
    %dma_start3A_302 = arith.constant 25 : i32
    %dma_start3A_303 = arith.constant 25 : i32
    %dma_start3A_304 = arith.constant 0 : i32
    %dma_start3A_305 = arith.constant 0 : i32
    %dma_start3A_306 = tpu.memref_slice %arg6[%dma_start3A_303, %dma_start3A_304, %dma_start3A_305] : memref<26x128x16xf32, #tpu.memory_space<vmem>> -> memref<1x128x16xf32, #tpu.memory_space<vmem>>
    %dma_start3A_307 = tpu.memref_squeeze %dma_start3A_306 : memref<1x128x16xf32, #tpu.memory_space<vmem>> -> memref<128x16xf32, #tpu.memory_space<vmem>>
    %dma_start3A_308 = arith.constant 0 : i32
    %dma_start3A_309 = tpu.memref_slice %arg5[%dma_start3A_302, %dma_start3A_308] : memref<32x128xi32, #tpu.memory_space<vmem>> -> memref<1x128xi32, #tpu.memory_space<vmem>>
    %dma_start3A_310 = tpu.memref_squeeze %dma_start3A_309 : memref<1x128xi32, #tpu.memory_space<vmem>> -> memref<128xi32, #tpu.memory_space<vmem>>
    %dma_start3A_311 = arith.constant 0 : i32
    %dma_start3A_312 = arith.constant 0 : i32
    %dma_start3A_313 = tpu.memref_slice %arg2[%dma_start3A_311, %dma_start3A_312] : memref<2600000x16xf32, #tpu.memory_space<hbm>> -> memref<2600000x16xf32, #tpu.memory_space<hbm>>
    tpu.enqueue_indirect_dma source(%dma_start3A_313 : memref<2600000x16xf32, #tpu.memory_space<hbm>>) target(%dma_start3A_307 : memref<128x16xf32, #tpu.memory_space<vmem>>) offsets(%dma_start3A_310 : memref<128xi32, #tpu.memory_space<vmem>>) semaphore(%arg7 : memref<!tpu.dma_semaphore, #tpu.memory_space<semaphore_mem>>)
    %dma_wait3A = arith.constant 0 : i32
    %dma_wait3A_314 = arith.constant 0 : i32
    %dma_wait3A_315 = arith.constant 0 : i32
    %dma_wait3A_316 = arith.constant 0 : i32
    %dma_wait3A_317 = tpu.memref_slice %arg6[%dma_wait3A_314, %dma_wait3A_315, %dma_wait3A_316] : memref<26x128x16xf32, #tpu.memory_space<vmem>> -> memref<1x128x16xf32, #tpu.memory_space<vmem>>
    %dma_wait3A_318 = tpu.memref_squeeze %dma_wait3A_317 : memref<1x128x16xf32, #tpu.memory_space<vmem>> -> memref<128x16xf32, #tpu.memory_space<vmem>>
    %dma_wait3A_319 = arith.constant 0 : i32
    %dma_wait3A_320 = tpu.memref_slice %arg5[%dma_wait3A, %dma_wait3A_319] : memref<32x128xi32, #tpu.memory_space<vmem>> -> memref<1x128xi32, #tpu.memory_space<vmem>>
    %dma_wait3A_321 = tpu.memref_squeeze %dma_wait3A_320 : memref<1x128xi32, #tpu.memory_space<vmem>> -> memref<128xi32, #tpu.memory_space<vmem>>
    %dma_wait3A_322 = arith.constant 0 : i32
    %dma_wait3A_323 = arith.constant 0 : i32
    %dma_wait3A_324 = tpu.memref_slice %arg2[%dma_wait3A_322, %dma_wait3A_323] : memref<2600000x16xf32, #tpu.memory_space<hbm>> -> memref<2600000x16xf32, #tpu.memory_space<hbm>>
    tpu.wait_indirect_dma semaphore(%arg7 : memref<!tpu.dma_semaphore, #tpu.memory_space<semaphore_mem>>) src(%dma_wait3A_324 : memref<2600000x16xf32, #tpu.memory_space<hbm>>) dst(%dma_wait3A_318 : memref<128x16xf32, #tpu.memory_space<vmem>>)
    %dma_wait3A_325 = arith.constant 1 : i32
    %dma_wait3A_326 = arith.constant 1 : i32
    %dma_wait3A_327 = arith.constant 0 : i32
    %dma_wait3A_328 = arith.constant 0 : i32
    %dma_wait3A_329 = tpu.memref_slice %arg6[%dma_wait3A_326, %dma_wait3A_327, %dma_wait3A_328] : memref<26x128x16xf32, #tpu.memory_space<vmem>> -> memref<1x128x16xf32, #tpu.memory_space<vmem>>
    %dma_wait3A_330 = tpu.memref_squeeze %dma_wait3A_329 : memref<1x128x16xf32, #tpu.memory_space<vmem>> -> memref<128x16xf32, #tpu.memory_space<vmem>>
    %dma_wait3A_331 = arith.constant 0 : i32
    %dma_wait3A_332 = tpu.memref_slice %arg5[%dma_wait3A_325, %dma_wait3A_331] : memref<32x128xi32, #tpu.memory_space<vmem>> -> memref<1x128xi32, #tpu.memory_space<vmem>>
    %dma_wait3A_333 = tpu.memref_squeeze %dma_wait3A_332 : memref<1x128xi32, #tpu.memory_space<vmem>> -> memref<128xi32, #tpu.memory_space<vmem>>
    %dma_wait3A_334 = arith.constant 0 : i32
    %dma_wait3A_335 = arith.constant 0 : i32
    %dma_wait3A_336 = tpu.memref_slice %arg2[%dma_wait3A_334, %dma_wait3A_335] : memref<2600000x16xf32, #tpu.memory_space<hbm>> -> memref<2600000x16xf32, #tpu.memory_space<hbm>>
    tpu.wait_indirect_dma semaphore(%arg7 : memref<!tpu.dma_semaphore, #tpu.memory_space<semaphore_mem>>) src(%dma_wait3A_336 : memref<2600000x16xf32, #tpu.memory_space<hbm>>) dst(%dma_wait3A_330 : memref<128x16xf32, #tpu.memory_space<vmem>>)
    %dma_wait3A_337 = arith.constant 2 : i32
    %dma_wait3A_338 = arith.constant 2 : i32
    %dma_wait3A_339 = arith.constant 0 : i32
    %dma_wait3A_340 = arith.constant 0 : i32
    %dma_wait3A_341 = tpu.memref_slice %arg6[%dma_wait3A_338, %dma_wait3A_339, %dma_wait3A_340] : memref<26x128x16xf32, #tpu.memory_space<vmem>> -> memref<1x128x16xf32, #tpu.memory_space<vmem>>
    %dma_wait3A_342 = tpu.memref_squeeze %dma_wait3A_341 : memref<1x128x16xf32, #tpu.memory_space<vmem>> -> memref<128x16xf32, #tpu.memory_space<vmem>>
    %dma_wait3A_343 = arith.constant 0 : i32
    %dma_wait3A_344 = tpu.memref_slice %arg5[%dma_wait3A_337, %dma_wait3A_343] : memref<32x128xi32, #tpu.memory_space<vmem>> -> memref<1x128xi32, #tpu.memory_space<vmem>>
    %dma_wait3A_345 = tpu.memref_squeeze %dma_wait3A_344 : memref<1x128xi32, #tpu.memory_space<vmem>> -> memref<128xi32, #tpu.memory_space<vmem>>
    %dma_wait3A_346 = arith.constant 0 : i32
    %dma_wait3A_347 = arith.constant 0 : i32
    %dma_wait3A_348 = tpu.memref_slice %arg2[%dma_wait3A_346, %dma_wait3A_347] : memref<2600000x16xf32, #tpu.memory_space<hbm>> -> memref<2600000x16xf32, #tpu.memory_space<hbm>>
    tpu.wait_indirect_dma semaphore(%arg7 : memref<!tpu.dma_semaphore, #tpu.memory_space<semaphore_mem>>) src(%dma_wait3A_348 : memref<2600000x16xf32, #tpu.memory_space<hbm>>) dst(%dma_wait3A_342 : memref<128x16xf32, #tpu.memory_space<vmem>>)
    %dma_wait3A_349 = arith.constant 3 : i32
    %dma_wait3A_350 = arith.constant 3 : i32
    %dma_wait3A_351 = arith.constant 0 : i32
    %dma_wait3A_352 = arith.constant 0 : i32
    %dma_wait3A_353 = tpu.memref_slice %arg6[%dma_wait3A_350, %dma_wait3A_351, %dma_wait3A_352] : memref<26x128x16xf32, #tpu.memory_space<vmem>> -> memref<1x128x16xf32, #tpu.memory_space<vmem>>
    %dma_wait3A_354 = tpu.memref_squeeze %dma_wait3A_353 : memref<1x128x16xf32, #tpu.memory_space<vmem>> -> memref<128x16xf32, #tpu.memory_space<vmem>>
    %dma_wait3A_355 = arith.constant 0 : i32
    %dma_wait3A_356 = tpu.memref_slice %arg5[%dma_wait3A_349, %dma_wait3A_355] : memref<32x128xi32, #tpu.memory_space<vmem>> -> memref<1x128xi32, #tpu.memory_space<vmem>>
    %dma_wait3A_357 = tpu.memref_squeeze %dma_wait3A_356 : memref<1x128xi32, #tpu.memory_space<vmem>> -> memref<128xi32, #tpu.memory_space<vmem>>
    %dma_wait3A_358 = arith.constant 0 : i32
    %dma_wait3A_359 = arith.constant 0 : i32
    %dma_wait3A_360 = tpu.memref_slice %arg2[%dma_wait3A_358, %dma_wait3A_359] : memref<2600000x16xf32, #tpu.memory_space<hbm>> -> memref<2600000x16xf32, #tpu.memory_space<hbm>>
    tpu.wait_indirect_dma semaphore(%arg7 : memref<!tpu.dma_semaphore, #tpu.memory_space<semaphore_mem>>) src(%dma_wait3A_360 : memref<2600000x16xf32, #tpu.memory_space<hbm>>) dst(%dma_wait3A_354 : memref<128x16xf32, #tpu.memory_space<vmem>>)
    %dma_wait3A_361 = arith.constant 4 : i32
    %dma_wait3A_362 = arith.constant 4 : i32
    %dma_wait3A_363 = arith.constant 0 : i32
    %dma_wait3A_364 = arith.constant 0 : i32
    %dma_wait3A_365 = tpu.memref_slice %arg6[%dma_wait3A_362, %dma_wait3A_363, %dma_wait3A_364] : memref<26x128x16xf32, #tpu.memory_space<vmem>> -> memref<1x128x16xf32, #tpu.memory_space<vmem>>
    %dma_wait3A_366 = tpu.memref_squeeze %dma_wait3A_365 : memref<1x128x16xf32, #tpu.memory_space<vmem>> -> memref<128x16xf32, #tpu.memory_space<vmem>>
    %dma_wait3A_367 = arith.constant 0 : i32
    %dma_wait3A_368 = tpu.memref_slice %arg5[%dma_wait3A_361, %dma_wait3A_367] : memref<32x128xi32, #tpu.memory_space<vmem>> -> memref<1x128xi32, #tpu.memory_space<vmem>>
    %dma_wait3A_369 = tpu.memref_squeeze %dma_wait3A_368 : memref<1x128xi32, #tpu.memory_space<vmem>> -> memref<128xi32, #tpu.memory_space<vmem>>
    %dma_wait3A_370 = arith.constant 0 : i32
    %dma_wait3A_371 = arith.constant 0 : i32
    %dma_wait3A_372 = tpu.memref_slice %arg2[%dma_wait3A_370, %dma_wait3A_371] : memref<2600000x16xf32, #tpu.memory_space<hbm>> -> memref<2600000x16xf32, #tpu.memory_space<hbm>>
    tpu.wait_indirect_dma semaphore(%arg7 : memref<!tpu.dma_semaphore, #tpu.memory_space<semaphore_mem>>) src(%dma_wait3A_372 : memref<2600000x16xf32, #tpu.memory_space<hbm>>) dst(%dma_wait3A_366 : memref<128x16xf32, #tpu.memory_space<vmem>>)
    %dma_wait3A_373 = arith.constant 5 : i32
    %dma_wait3A_374 = arith.constant 5 : i32
    %dma_wait3A_375 = arith.constant 0 : i32
    %dma_wait3A_376 = arith.constant 0 : i32
    %dma_wait3A_377 = tpu.memref_slice %arg6[%dma_wait3A_374, %dma_wait3A_375, %dma_wait3A_376] : memref<26x128x16xf32, #tpu.memory_space<vmem>> -> memref<1x128x16xf32, #tpu.memory_space<vmem>>
    %dma_wait3A_378 = tpu.memref_squeeze %dma_wait3A_377 : memref<1x128x16xf32, #tpu.memory_space<vmem>> -> memref<128x16xf32, #tpu.memory_space<vmem>>
    %dma_wait3A_379 = arith.constant 0 : i32
    %dma_wait3A_380 = tpu.memref_slice %arg5[%dma_wait3A_373, %dma_wait3A_379] : memref<32x128xi32, #tpu.memory_space<vmem>> -> memref<1x128xi32, #tpu.memory_space<vmem>>
    %dma_wait3A_381 = tpu.memref_squeeze %dma_wait3A_380 : memref<1x128xi32, #tpu.memory_space<vmem>> -> memref<128xi32, #tpu.memory_space<vmem>>
    %dma_wait3A_382 = arith.constant 0 : i32
    %dma_wait3A_383 = arith.constant 0 : i32
    %dma_wait3A_384 = tpu.memref_slice %arg2[%dma_wait3A_382, %dma_wait3A_383] : memref<2600000x16xf32, #tpu.memory_space<hbm>> -> memref<2600000x16xf32, #tpu.memory_space<hbm>>
    tpu.wait_indirect_dma semaphore(%arg7 : memref<!tpu.dma_semaphore, #tpu.memory_space<semaphore_mem>>) src(%dma_wait3A_384 : memref<2600000x16xf32, #tpu.memory_space<hbm>>) dst(%dma_wait3A_378 : memref<128x16xf32, #tpu.memory_space<vmem>>)
    %dma_wait3A_385 = arith.constant 6 : i32
    %dma_wait3A_386 = arith.constant 6 : i32
    %dma_wait3A_387 = arith.constant 0 : i32
    %dma_wait3A_388 = arith.constant 0 : i32
    %dma_wait3A_389 = tpu.memref_slice %arg6[%dma_wait3A_386, %dma_wait3A_387, %dma_wait3A_388] : memref<26x128x16xf32, #tpu.memory_space<vmem>> -> memref<1x128x16xf32, #tpu.memory_space<vmem>>
    %dma_wait3A_390 = tpu.memref_squeeze %dma_wait3A_389 : memref<1x128x16xf32, #tpu.memory_space<vmem>> -> memref<128x16xf32, #tpu.memory_space<vmem>>
    %dma_wait3A_391 = arith.constant 0 : i32
    %dma_wait3A_392 = tpu.memref_slice %arg5[%dma_wait3A_385, %dma_wait3A_391] : memref<32x128xi32, #tpu.memory_space<vmem>> -> memref<1x128xi32, #tpu.memory_space<vmem>>
    %dma_wait3A_393 = tpu.memref_squeeze %dma_wait3A_392 : memref<1x128xi32, #tpu.memory_space<vmem>> -> memref<128xi32, #tpu.memory_space<vmem>>
    %dma_wait3A_394 = arith.constant 0 : i32
    %dma_wait3A_395 = arith.constant 0 : i32
    %dma_wait3A_396 = tpu.memref_slice %arg2[%dma_wait3A_394, %dma_wait3A_395] : memref<2600000x16xf32, #tpu.memory_space<hbm>> -> memref<2600000x16xf32, #tpu.memory_space<hbm>>
    tpu.wait_indirect_dma semaphore(%arg7 : memref<!tpu.dma_semaphore, #tpu.memory_space<semaphore_mem>>) src(%dma_wait3A_396 : memref<2600000x16xf32, #tpu.memory_space<hbm>>) dst(%dma_wait3A_390 : memref<128x16xf32, #tpu.memory_space<vmem>>)
    %dma_wait3A_397 = arith.constant 7 : i32
    %dma_wait3A_398 = arith.constant 7 : i32
    %dma_wait3A_399 = arith.constant 0 : i32
    %dma_wait3A_400 = arith.constant 0 : i32
    %dma_wait3A_401 = tpu.memref_slice %arg6[%dma_wait3A_398, %dma_wait3A_399, %dma_wait3A_400] : memref<26x128x16xf32, #tpu.memory_space<vmem>> -> memref<1x128x16xf32, #tpu.memory_space<vmem>>
    %dma_wait3A_402 = tpu.memref_squeeze %dma_wait3A_401 : memref<1x128x16xf32, #tpu.memory_space<vmem>> -> memref<128x16xf32, #tpu.memory_space<vmem>>
    %dma_wait3A_403 = arith.constant 0 : i32
    %dma_wait3A_404 = tpu.memref_slice %arg5[%dma_wait3A_397, %dma_wait3A_403] : memref<32x128xi32, #tpu.memory_space<vmem>> -> memref<1x128xi32, #tpu.memory_space<vmem>>
    %dma_wait3A_405 = tpu.memref_squeeze %dma_wait3A_404 : memref<1x128xi32, #tpu.memory_space<vmem>> -> memref<128xi32, #tpu.memory_space<vmem>>
    %dma_wait3A_406 = arith.constant 0 : i32
    %dma_wait3A_407 = arith.constant 0 : i32
    %dma_wait3A_408 = tpu.memref_slice %arg2[%dma_wait3A_406, %dma_wait3A_407] : memref<2600000x16xf32, #tpu.memory_space<hbm>> -> memref<2600000x16xf32, #tpu.memory_space<hbm>>
    tpu.wait_indirect_dma semaphore(%arg7 : memref<!tpu.dma_semaphore, #tpu.memory_space<semaphore_mem>>) src(%dma_wait3A_408 : memref<2600000x16xf32, #tpu.memory_space<hbm>>) dst(%dma_wait3A_402 : memref<128x16xf32, #tpu.memory_space<vmem>>)
    %dma_wait3A_409 = arith.constant 8 : i32
    %dma_wait3A_410 = arith.constant 8 : i32
    %dma_wait3A_411 = arith.constant 0 : i32
    %dma_wait3A_412 = arith.constant 0 : i32
    %dma_wait3A_413 = tpu.memref_slice %arg6[%dma_wait3A_410, %dma_wait3A_411, %dma_wait3A_412] : memref<26x128x16xf32, #tpu.memory_space<vmem>> -> memref<1x128x16xf32, #tpu.memory_space<vmem>>
    %dma_wait3A_414 = tpu.memref_squeeze %dma_wait3A_413 : memref<1x128x16xf32, #tpu.memory_space<vmem>> -> memref<128x16xf32, #tpu.memory_space<vmem>>
    %dma_wait3A_415 = arith.constant 0 : i32
    %dma_wait3A_416 = tpu.memref_slice %arg5[%dma_wait3A_409, %dma_wait3A_415] : memref<32x128xi32, #tpu.memory_space<vmem>> -> memref<1x128xi32, #tpu.memory_space<vmem>>
    %dma_wait3A_417 = tpu.memref_squeeze %dma_wait3A_416 : memref<1x128xi32, #tpu.memory_space<vmem>> -> memref<128xi32, #tpu.memory_space<vmem>>
    %dma_wait3A_418 = arith.constant 0 : i32
    %dma_wait3A_419 = arith.constant 0 : i32
    %dma_wait3A_420 = tpu.memref_slice %arg2[%dma_wait3A_418, %dma_wait3A_419] : memref<2600000x16xf32, #tpu.memory_space<hbm>> -> memref<2600000x16xf32, #tpu.memory_space<hbm>>
    tpu.wait_indirect_dma semaphore(%arg7 : memref<!tpu.dma_semaphore, #tpu.memory_space<semaphore_mem>>) src(%dma_wait3A_420 : memref<2600000x16xf32, #tpu.memory_space<hbm>>) dst(%dma_wait3A_414 : memref<128x16xf32, #tpu.memory_space<vmem>>)
    %dma_wait3A_421 = arith.constant 9 : i32
    %dma_wait3A_422 = arith.constant 9 : i32
    %dma_wait3A_423 = arith.constant 0 : i32
    %dma_wait3A_424 = arith.constant 0 : i32
    %dma_wait3A_425 = tpu.memref_slice %arg6[%dma_wait3A_422, %dma_wait3A_423, %dma_wait3A_424] : memref<26x128x16xf32, #tpu.memory_space<vmem>> -> memref<1x128x16xf32, #tpu.memory_space<vmem>>
    %dma_wait3A_426 = tpu.memref_squeeze %dma_wait3A_425 : memref<1x128x16xf32, #tpu.memory_space<vmem>> -> memref<128x16xf32, #tpu.memory_space<vmem>>
    %dma_wait3A_427 = arith.constant 0 : i32
    %dma_wait3A_428 = tpu.memref_slice %arg5[%dma_wait3A_421, %dma_wait3A_427] : memref<32x128xi32, #tpu.memory_space<vmem>> -> memref<1x128xi32, #tpu.memory_space<vmem>>
    %dma_wait3A_429 = tpu.memref_squeeze %dma_wait3A_428 : memref<1x128xi32, #tpu.memory_space<vmem>> -> memref<128xi32, #tpu.memory_space<vmem>>
    %dma_wait3A_430 = arith.constant 0 : i32
    %dma_wait3A_431 = arith.constant 0 : i32
    %dma_wait3A_432 = tpu.memref_slice %arg2[%dma_wait3A_430, %dma_wait3A_431] : memref<2600000x16xf32, #tpu.memory_space<hbm>> -> memref<2600000x16xf32, #tpu.memory_space<hbm>>
    tpu.wait_indirect_dma semaphore(%arg7 : memref<!tpu.dma_semaphore, #tpu.memory_space<semaphore_mem>>) src(%dma_wait3A_432 : memref<2600000x16xf32, #tpu.memory_space<hbm>>) dst(%dma_wait3A_426 : memref<128x16xf32, #tpu.memory_space<vmem>>)
    %dma_wait3A_433 = arith.constant 10 : i32
    %dma_wait3A_434 = arith.constant 10 : i32
    %dma_wait3A_435 = arith.constant 0 : i32
    %dma_wait3A_436 = arith.constant 0 : i32
    %dma_wait3A_437 = tpu.memref_slice %arg6[%dma_wait3A_434, %dma_wait3A_435, %dma_wait3A_436] : memref<26x128x16xf32, #tpu.memory_space<vmem>> -> memref<1x128x16xf32, #tpu.memory_space<vmem>>
    %dma_wait3A_438 = tpu.memref_squeeze %dma_wait3A_437 : memref<1x128x16xf32, #tpu.memory_space<vmem>> -> memref<128x16xf32, #tpu.memory_space<vmem>>
    %dma_wait3A_439 = arith.constant 0 : i32
    %dma_wait3A_440 = tpu.memref_slice %arg5[%dma_wait3A_433, %dma_wait3A_439] : memref<32x128xi32, #tpu.memory_space<vmem>> -> memref<1x128xi32, #tpu.memory_space<vmem>>
    %dma_wait3A_441 = tpu.memref_squeeze %dma_wait3A_440 : memref<1x128xi32, #tpu.memory_space<vmem>> -> memref<128xi32, #tpu.memory_space<vmem>>
    %dma_wait3A_442 = arith.constant 0 : i32
    %dma_wait3A_443 = arith.constant 0 : i32
    %dma_wait3A_444 = tpu.memref_slice %arg2[%dma_wait3A_442, %dma_wait3A_443] : memref<2600000x16xf32, #tpu.memory_space<hbm>> -> memref<2600000x16xf32, #tpu.memory_space<hbm>>
    tpu.wait_indirect_dma semaphore(%arg7 : memref<!tpu.dma_semaphore, #tpu.memory_space<semaphore_mem>>) src(%dma_wait3A_444 : memref<2600000x16xf32, #tpu.memory_space<hbm>>) dst(%dma_wait3A_438 : memref<128x16xf32, #tpu.memory_space<vmem>>)
    %dma_wait3A_445 = arith.constant 11 : i32
    %dma_wait3A_446 = arith.constant 11 : i32
    %dma_wait3A_447 = arith.constant 0 : i32
    %dma_wait3A_448 = arith.constant 0 : i32
    %dma_wait3A_449 = tpu.memref_slice %arg6[%dma_wait3A_446, %dma_wait3A_447, %dma_wait3A_448] : memref<26x128x16xf32, #tpu.memory_space<vmem>> -> memref<1x128x16xf32, #tpu.memory_space<vmem>>
    %dma_wait3A_450 = tpu.memref_squeeze %dma_wait3A_449 : memref<1x128x16xf32, #tpu.memory_space<vmem>> -> memref<128x16xf32, #tpu.memory_space<vmem>>
    %dma_wait3A_451 = arith.constant 0 : i32
    %dma_wait3A_452 = tpu.memref_slice %arg5[%dma_wait3A_445, %dma_wait3A_451] : memref<32x128xi32, #tpu.memory_space<vmem>> -> memref<1x128xi32, #tpu.memory_space<vmem>>
    %dma_wait3A_453 = tpu.memref_squeeze %dma_wait3A_452 : memref<1x128xi32, #tpu.memory_space<vmem>> -> memref<128xi32, #tpu.memory_space<vmem>>
    %dma_wait3A_454 = arith.constant 0 : i32
    %dma_wait3A_455 = arith.constant 0 : i32
    %dma_wait3A_456 = tpu.memref_slice %arg2[%dma_wait3A_454, %dma_wait3A_455] : memref<2600000x16xf32, #tpu.memory_space<hbm>> -> memref<2600000x16xf32, #tpu.memory_space<hbm>>
    tpu.wait_indirect_dma semaphore(%arg7 : memref<!tpu.dma_semaphore, #tpu.memory_space<semaphore_mem>>) src(%dma_wait3A_456 : memref<2600000x16xf32, #tpu.memory_space<hbm>>) dst(%dma_wait3A_450 : memref<128x16xf32, #tpu.memory_space<vmem>>)
    %dma_wait3A_457 = arith.constant 12 : i32
    %dma_wait3A_458 = arith.constant 12 : i32
    %dma_wait3A_459 = arith.constant 0 : i32
    %dma_wait3A_460 = arith.constant 0 : i32
    %dma_wait3A_461 = tpu.memref_slice %arg6[%dma_wait3A_458, %dma_wait3A_459, %dma_wait3A_460] : memref<26x128x16xf32, #tpu.memory_space<vmem>> -> memref<1x128x16xf32, #tpu.memory_space<vmem>>
    %dma_wait3A_462 = tpu.memref_squeeze %dma_wait3A_461 : memref<1x128x16xf32, #tpu.memory_space<vmem>> -> memref<128x16xf32, #tpu.memory_space<vmem>>
    %dma_wait3A_463 = arith.constant 0 : i32
    %dma_wait3A_464 = tpu.memref_slice %arg5[%dma_wait3A_457, %dma_wait3A_463] : memref<32x128xi32, #tpu.memory_space<vmem>> -> memref<1x128xi32, #tpu.memory_space<vmem>>
    %dma_wait3A_465 = tpu.memref_squeeze %dma_wait3A_464 : memref<1x128xi32, #tpu.memory_space<vmem>> -> memref<128xi32, #tpu.memory_space<vmem>>
    %dma_wait3A_466 = arith.constant 0 : i32
    %dma_wait3A_467 = arith.constant 0 : i32
    %dma_wait3A_468 = tpu.memref_slice %arg2[%dma_wait3A_466, %dma_wait3A_467] : memref<2600000x16xf32, #tpu.memory_space<hbm>> -> memref<2600000x16xf32, #tpu.memory_space<hbm>>
    tpu.wait_indirect_dma semaphore(%arg7 : memref<!tpu.dma_semaphore, #tpu.memory_space<semaphore_mem>>) src(%dma_wait3A_468 : memref<2600000x16xf32, #tpu.memory_space<hbm>>) dst(%dma_wait3A_462 : memref<128x16xf32, #tpu.memory_space<vmem>>)
    %dma_wait3A_469 = arith.constant 13 : i32
    %dma_wait3A_470 = arith.constant 13 : i32
    %dma_wait3A_471 = arith.constant 0 : i32
    %dma_wait3A_472 = arith.constant 0 : i32
    %dma_wait3A_473 = tpu.memref_slice %arg6[%dma_wait3A_470, %dma_wait3A_471, %dma_wait3A_472] : memref<26x128x16xf32, #tpu.memory_space<vmem>> -> memref<1x128x16xf32, #tpu.memory_space<vmem>>
    %dma_wait3A_474 = tpu.memref_squeeze %dma_wait3A_473 : memref<1x128x16xf32, #tpu.memory_space<vmem>> -> memref<128x16xf32, #tpu.memory_space<vmem>>
    %dma_wait3A_475 = arith.constant 0 : i32
    %dma_wait3A_476 = tpu.memref_slice %arg5[%dma_wait3A_469, %dma_wait3A_475] : memref<32x128xi32, #tpu.memory_space<vmem>> -> memref<1x128xi32, #tpu.memory_space<vmem>>
    %dma_wait3A_477 = tpu.memref_squeeze %dma_wait3A_476 : memref<1x128xi32, #tpu.memory_space<vmem>> -> memref<128xi32, #tpu.memory_space<vmem>>
    %dma_wait3A_478 = arith.constant 0 : i32
    %dma_wait3A_479 = arith.constant 0 : i32
    %dma_wait3A_480 = tpu.memref_slice %arg2[%dma_wait3A_478, %dma_wait3A_479] : memref<2600000x16xf32, #tpu.memory_space<hbm>> -> memref<2600000x16xf32, #tpu.memory_space<hbm>>
    tpu.wait_indirect_dma semaphore(%arg7 : memref<!tpu.dma_semaphore, #tpu.memory_space<semaphore_mem>>) src(%dma_wait3A_480 : memref<2600000x16xf32, #tpu.memory_space<hbm>>) dst(%dma_wait3A_474 : memref<128x16xf32, #tpu.memory_space<vmem>>)
    %dma_wait3A_481 = arith.constant 14 : i32
    %dma_wait3A_482 = arith.constant 14 : i32
    %dma_wait3A_483 = arith.constant 0 : i32
    %dma_wait3A_484 = arith.constant 0 : i32
    %dma_wait3A_485 = tpu.memref_slice %arg6[%dma_wait3A_482, %dma_wait3A_483, %dma_wait3A_484] : memref<26x128x16xf32, #tpu.memory_space<vmem>> -> memref<1x128x16xf32, #tpu.memory_space<vmem>>
    %dma_wait3A_486 = tpu.memref_squeeze %dma_wait3A_485 : memref<1x128x16xf32, #tpu.memory_space<vmem>> -> memref<128x16xf32, #tpu.memory_space<vmem>>
    %dma_wait3A_487 = arith.constant 0 : i32
    %dma_wait3A_488 = tpu.memref_slice %arg5[%dma_wait3A_481, %dma_wait3A_487] : memref<32x128xi32, #tpu.memory_space<vmem>> -> memref<1x128xi32, #tpu.memory_space<vmem>>
    %dma_wait3A_489 = tpu.memref_squeeze %dma_wait3A_488 : memref<1x128xi32, #tpu.memory_space<vmem>> -> memref<128xi32, #tpu.memory_space<vmem>>
    %dma_wait3A_490 = arith.constant 0 : i32
    %dma_wait3A_491 = arith.constant 0 : i32
    %dma_wait3A_492 = tpu.memref_slice %arg2[%dma_wait3A_490, %dma_wait3A_491] : memref<2600000x16xf32, #tpu.memory_space<hbm>> -> memref<2600000x16xf32, #tpu.memory_space<hbm>>
    tpu.wait_indirect_dma semaphore(%arg7 : memref<!tpu.dma_semaphore, #tpu.memory_space<semaphore_mem>>) src(%dma_wait3A_492 : memref<2600000x16xf32, #tpu.memory_space<hbm>>) dst(%dma_wait3A_486 : memref<128x16xf32, #tpu.memory_space<vmem>>)
    %dma_wait3A_493 = arith.constant 15 : i32
    %dma_wait3A_494 = arith.constant 15 : i32
    %dma_wait3A_495 = arith.constant 0 : i32
    %dma_wait3A_496 = arith.constant 0 : i32
    %dma_wait3A_497 = tpu.memref_slice %arg6[%dma_wait3A_494, %dma_wait3A_495, %dma_wait3A_496] : memref<26x128x16xf32, #tpu.memory_space<vmem>> -> memref<1x128x16xf32, #tpu.memory_space<vmem>>
    %dma_wait3A_498 = tpu.memref_squeeze %dma_wait3A_497 : memref<1x128x16xf32, #tpu.memory_space<vmem>> -> memref<128x16xf32, #tpu.memory_space<vmem>>
    %dma_wait3A_499 = arith.constant 0 : i32
    %dma_wait3A_500 = tpu.memref_slice %arg5[%dma_wait3A_493, %dma_wait3A_499] : memref<32x128xi32, #tpu.memory_space<vmem>> -> memref<1x128xi32, #tpu.memory_space<vmem>>
    %dma_wait3A_501 = tpu.memref_squeeze %dma_wait3A_500 : memref<1x128xi32, #tpu.memory_space<vmem>> -> memref<128xi32, #tpu.memory_space<vmem>>
    %dma_wait3A_502 = arith.constant 0 : i32
    %dma_wait3A_503 = arith.constant 0 : i32
    %dma_wait3A_504 = tpu.memref_slice %arg2[%dma_wait3A_502, %dma_wait3A_503] : memref<2600000x16xf32, #tpu.memory_space<hbm>> -> memref<2600000x16xf32, #tpu.memory_space<hbm>>
    tpu.wait_indirect_dma semaphore(%arg7 : memref<!tpu.dma_semaphore, #tpu.memory_space<semaphore_mem>>) src(%dma_wait3A_504 : memref<2600000x16xf32, #tpu.memory_space<hbm>>) dst(%dma_wait3A_498 : memref<128x16xf32, #tpu.memory_space<vmem>>)
    %dma_wait3A_505 = arith.constant 16 : i32
    %dma_wait3A_506 = arith.constant 16 : i32
    %dma_wait3A_507 = arith.constant 0 : i32
    %dma_wait3A_508 = arith.constant 0 : i32
    %dma_wait3A_509 = tpu.memref_slice %arg6[%dma_wait3A_506, %dma_wait3A_507, %dma_wait3A_508] : memref<26x128x16xf32, #tpu.memory_space<vmem>> -> memref<1x128x16xf32, #tpu.memory_space<vmem>>
    %dma_wait3A_510 = tpu.memref_squeeze %dma_wait3A_509 : memref<1x128x16xf32, #tpu.memory_space<vmem>> -> memref<128x16xf32, #tpu.memory_space<vmem>>
    %dma_wait3A_511 = arith.constant 0 : i32
    %dma_wait3A_512 = tpu.memref_slice %arg5[%dma_wait3A_505, %dma_wait3A_511] : memref<32x128xi32, #tpu.memory_space<vmem>> -> memref<1x128xi32, #tpu.memory_space<vmem>>
    %dma_wait3A_513 = tpu.memref_squeeze %dma_wait3A_512 : memref<1x128xi32, #tpu.memory_space<vmem>> -> memref<128xi32, #tpu.memory_space<vmem>>
    %dma_wait3A_514 = arith.constant 0 : i32
    %dma_wait3A_515 = arith.constant 0 : i32
    %dma_wait3A_516 = tpu.memref_slice %arg2[%dma_wait3A_514, %dma_wait3A_515] : memref<2600000x16xf32, #tpu.memory_space<hbm>> -> memref<2600000x16xf32, #tpu.memory_space<hbm>>
    tpu.wait_indirect_dma semaphore(%arg7 : memref<!tpu.dma_semaphore, #tpu.memory_space<semaphore_mem>>) src(%dma_wait3A_516 : memref<2600000x16xf32, #tpu.memory_space<hbm>>) dst(%dma_wait3A_510 : memref<128x16xf32, #tpu.memory_space<vmem>>)
    %dma_wait3A_517 = arith.constant 17 : i32
    %dma_wait3A_518 = arith.constant 17 : i32
    %dma_wait3A_519 = arith.constant 0 : i32
    %dma_wait3A_520 = arith.constant 0 : i32
    %dma_wait3A_521 = tpu.memref_slice %arg6[%dma_wait3A_518, %dma_wait3A_519, %dma_wait3A_520] : memref<26x128x16xf32, #tpu.memory_space<vmem>> -> memref<1x128x16xf32, #tpu.memory_space<vmem>>
    %dma_wait3A_522 = tpu.memref_squeeze %dma_wait3A_521 : memref<1x128x16xf32, #tpu.memory_space<vmem>> -> memref<128x16xf32, #tpu.memory_space<vmem>>
    %dma_wait3A_523 = arith.constant 0 : i32
    %dma_wait3A_524 = tpu.memref_slice %arg5[%dma_wait3A_517, %dma_wait3A_523] : memref<32x128xi32, #tpu.memory_space<vmem>> -> memref<1x128xi32, #tpu.memory_space<vmem>>
    %dma_wait3A_525 = tpu.memref_squeeze %dma_wait3A_524 : memref<1x128xi32, #tpu.memory_space<vmem>> -> memref<128xi32, #tpu.memory_space<vmem>>
    %dma_wait3A_526 = arith.constant 0 : i32
    %dma_wait3A_527 = arith.constant 0 : i32
    %dma_wait3A_528 = tpu.memref_slice %arg2[%dma_wait3A_526, %dma_wait3A_527] : memref<2600000x16xf32, #tpu.memory_space<hbm>> -> memref<2600000x16xf32, #tpu.memory_space<hbm>>
    tpu.wait_indirect_dma semaphore(%arg7 : memref<!tpu.dma_semaphore, #tpu.memory_space<semaphore_mem>>) src(%dma_wait3A_528 : memref<2600000x16xf32, #tpu.memory_space<hbm>>) dst(%dma_wait3A_522 : memref<128x16xf32, #tpu.memory_space<vmem>>)
    %dma_wait3A_529 = arith.constant 18 : i32
    %dma_wait3A_530 = arith.constant 18 : i32
    %dma_wait3A_531 = arith.constant 0 : i32
    %dma_wait3A_532 = arith.constant 0 : i32
    %dma_wait3A_533 = tpu.memref_slice %arg6[%dma_wait3A_530, %dma_wait3A_531, %dma_wait3A_532] : memref<26x128x16xf32, #tpu.memory_space<vmem>> -> memref<1x128x16xf32, #tpu.memory_space<vmem>>
    %dma_wait3A_534 = tpu.memref_squeeze %dma_wait3A_533 : memref<1x128x16xf32, #tpu.memory_space<vmem>> -> memref<128x16xf32, #tpu.memory_space<vmem>>
    %dma_wait3A_535 = arith.constant 0 : i32
    %dma_wait3A_536 = tpu.memref_slice %arg5[%dma_wait3A_529, %dma_wait3A_535] : memref<32x128xi32, #tpu.memory_space<vmem>> -> memref<1x128xi32, #tpu.memory_space<vmem>>
    %dma_wait3A_537 = tpu.memref_squeeze %dma_wait3A_536 : memref<1x128xi32, #tpu.memory_space<vmem>> -> memref<128xi32, #tpu.memory_space<vmem>>
    %dma_wait3A_538 = arith.constant 0 : i32
    %dma_wait3A_539 = arith.constant 0 : i32
    %dma_wait3A_540 = tpu.memref_slice %arg2[%dma_wait3A_538, %dma_wait3A_539] : memref<2600000x16xf32, #tpu.memory_space<hbm>> -> memref<2600000x16xf32, #tpu.memory_space<hbm>>
    tpu.wait_indirect_dma semaphore(%arg7 : memref<!tpu.dma_semaphore, #tpu.memory_space<semaphore_mem>>) src(%dma_wait3A_540 : memref<2600000x16xf32, #tpu.memory_space<hbm>>) dst(%dma_wait3A_534 : memref<128x16xf32, #tpu.memory_space<vmem>>)
    %dma_wait3A_541 = arith.constant 19 : i32
    %dma_wait3A_542 = arith.constant 19 : i32
    %dma_wait3A_543 = arith.constant 0 : i32
    %dma_wait3A_544 = arith.constant 0 : i32
    %dma_wait3A_545 = tpu.memref_slice %arg6[%dma_wait3A_542, %dma_wait3A_543, %dma_wait3A_544] : memref<26x128x16xf32, #tpu.memory_space<vmem>> -> memref<1x128x16xf32, #tpu.memory_space<vmem>>
    %dma_wait3A_546 = tpu.memref_squeeze %dma_wait3A_545 : memref<1x128x16xf32, #tpu.memory_space<vmem>> -> memref<128x16xf32, #tpu.memory_space<vmem>>
    %dma_wait3A_547 = arith.constant 0 : i32
    %dma_wait3A_548 = tpu.memref_slice %arg5[%dma_wait3A_541, %dma_wait3A_547] : memref<32x128xi32, #tpu.memory_space<vmem>> -> memref<1x128xi32, #tpu.memory_space<vmem>>
    %dma_wait3A_549 = tpu.memref_squeeze %dma_wait3A_548 : memref<1x128xi32, #tpu.memory_space<vmem>> -> memref<128xi32, #tpu.memory_space<vmem>>
    %dma_wait3A_550 = arith.constant 0 : i32
    %dma_wait3A_551 = arith.constant 0 : i32
    %dma_wait3A_552 = tpu.memref_slice %arg2[%dma_wait3A_550, %dma_wait3A_551] : memref<2600000x16xf32, #tpu.memory_space<hbm>> -> memref<2600000x16xf32, #tpu.memory_space<hbm>>
    tpu.wait_indirect_dma semaphore(%arg7 : memref<!tpu.dma_semaphore, #tpu.memory_space<semaphore_mem>>) src(%dma_wait3A_552 : memref<2600000x16xf32, #tpu.memory_space<hbm>>) dst(%dma_wait3A_546 : memref<128x16xf32, #tpu.memory_space<vmem>>)
    %dma_wait3A_553 = arith.constant 20 : i32
    %dma_wait3A_554 = arith.constant 20 : i32
    %dma_wait3A_555 = arith.constant 0 : i32
    %dma_wait3A_556 = arith.constant 0 : i32
    %dma_wait3A_557 = tpu.memref_slice %arg6[%dma_wait3A_554, %dma_wait3A_555, %dma_wait3A_556] : memref<26x128x16xf32, #tpu.memory_space<vmem>> -> memref<1x128x16xf32, #tpu.memory_space<vmem>>
    %dma_wait3A_558 = tpu.memref_squeeze %dma_wait3A_557 : memref<1x128x16xf32, #tpu.memory_space<vmem>> -> memref<128x16xf32, #tpu.memory_space<vmem>>
    %dma_wait3A_559 = arith.constant 0 : i32
    %dma_wait3A_560 = tpu.memref_slice %arg5[%dma_wait3A_553, %dma_wait3A_559] : memref<32x128xi32, #tpu.memory_space<vmem>> -> memref<1x128xi32, #tpu.memory_space<vmem>>
    %dma_wait3A_561 = tpu.memref_squeeze %dma_wait3A_560 : memref<1x128xi32, #tpu.memory_space<vmem>> -> memref<128xi32, #tpu.memory_space<vmem>>
    %dma_wait3A_562 = arith.constant 0 : i32
    %dma_wait3A_563 = arith.constant 0 : i32
    %dma_wait3A_564 = tpu.memref_slice %arg2[%dma_wait3A_562, %dma_wait3A_563] : memref<2600000x16xf32, #tpu.memory_space<hbm>> -> memref<2600000x16xf32, #tpu.memory_space<hbm>>
    tpu.wait_indirect_dma semaphore(%arg7 : memref<!tpu.dma_semaphore, #tpu.memory_space<semaphore_mem>>) src(%dma_wait3A_564 : memref<2600000x16xf32, #tpu.memory_space<hbm>>) dst(%dma_wait3A_558 : memref<128x16xf32, #tpu.memory_space<vmem>>)
    %dma_wait3A_565 = arith.constant 21 : i32
    %dma_wait3A_566 = arith.constant 21 : i32
    %dma_wait3A_567 = arith.constant 0 : i32
    %dma_wait3A_568 = arith.constant 0 : i32
    %dma_wait3A_569 = tpu.memref_slice %arg6[%dma_wait3A_566, %dma_wait3A_567, %dma_wait3A_568] : memref<26x128x16xf32, #tpu.memory_space<vmem>> -> memref<1x128x16xf32, #tpu.memory_space<vmem>>
    %dma_wait3A_570 = tpu.memref_squeeze %dma_wait3A_569 : memref<1x128x16xf32, #tpu.memory_space<vmem>> -> memref<128x16xf32, #tpu.memory_space<vmem>>
    %dma_wait3A_571 = arith.constant 0 : i32
    %dma_wait3A_572 = tpu.memref_slice %arg5[%dma_wait3A_565, %dma_wait3A_571] : memref<32x128xi32, #tpu.memory_space<vmem>> -> memref<1x128xi32, #tpu.memory_space<vmem>>
    %dma_wait3A_573 = tpu.memref_squeeze %dma_wait3A_572 : memref<1x128xi32, #tpu.memory_space<vmem>> -> memref<128xi32, #tpu.memory_space<vmem>>
    %dma_wait3A_574 = arith.constant 0 : i32
    %dma_wait3A_575 = arith.constant 0 : i32
    %dma_wait3A_576 = tpu.memref_slice %arg2[%dma_wait3A_574, %dma_wait3A_575] : memref<2600000x16xf32, #tpu.memory_space<hbm>> -> memref<2600000x16xf32, #tpu.memory_space<hbm>>
    tpu.wait_indirect_dma semaphore(%arg7 : memref<!tpu.dma_semaphore, #tpu.memory_space<semaphore_mem>>) src(%dma_wait3A_576 : memref<2600000x16xf32, #tpu.memory_space<hbm>>) dst(%dma_wait3A_570 : memref<128x16xf32, #tpu.memory_space<vmem>>)
    %dma_wait3A_577 = arith.constant 22 : i32
    %dma_wait3A_578 = arith.constant 22 : i32
    %dma_wait3A_579 = arith.constant 0 : i32
    %dma_wait3A_580 = arith.constant 0 : i32
    %dma_wait3A_581 = tpu.memref_slice %arg6[%dma_wait3A_578, %dma_wait3A_579, %dma_wait3A_580] : memref<26x128x16xf32, #tpu.memory_space<vmem>> -> memref<1x128x16xf32, #tpu.memory_space<vmem>>
    %dma_wait3A_582 = tpu.memref_squeeze %dma_wait3A_581 : memref<1x128x16xf32, #tpu.memory_space<vmem>> -> memref<128x16xf32, #tpu.memory_space<vmem>>
    %dma_wait3A_583 = arith.constant 0 : i32
    %dma_wait3A_584 = tpu.memref_slice %arg5[%dma_wait3A_577, %dma_wait3A_583] : memref<32x128xi32, #tpu.memory_space<vmem>> -> memref<1x128xi32, #tpu.memory_space<vmem>>
    %dma_wait3A_585 = tpu.memref_squeeze %dma_wait3A_584 : memref<1x128xi32, #tpu.memory_space<vmem>> -> memref<128xi32, #tpu.memory_space<vmem>>
    %dma_wait3A_586 = arith.constant 0 : i32
    %dma_wait3A_587 = arith.constant 0 : i32
    %dma_wait3A_588 = tpu.memref_slice %arg2[%dma_wait3A_586, %dma_wait3A_587] : memref<2600000x16xf32, #tpu.memory_space<hbm>> -> memref<2600000x16xf32, #tpu.memory_space<hbm>>
    tpu.wait_indirect_dma semaphore(%arg7 : memref<!tpu.dma_semaphore, #tpu.memory_space<semaphore_mem>>) src(%dma_wait3A_588 : memref<2600000x16xf32, #tpu.memory_space<hbm>>) dst(%dma_wait3A_582 : memref<128x16xf32, #tpu.memory_space<vmem>>)
    %dma_wait3A_589 = arith.constant 23 : i32
    %dma_wait3A_590 = arith.constant 23 : i32
    %dma_wait3A_591 = arith.constant 0 : i32
    %dma_wait3A_592 = arith.constant 0 : i32
    %dma_wait3A_593 = tpu.memref_slice %arg6[%dma_wait3A_590, %dma_wait3A_591, %dma_wait3A_592] : memref<26x128x16xf32, #tpu.memory_space<vmem>> -> memref<1x128x16xf32, #tpu.memory_space<vmem>>
    %dma_wait3A_594 = tpu.memref_squeeze %dma_wait3A_593 : memref<1x128x16xf32, #tpu.memory_space<vmem>> -> memref<128x16xf32, #tpu.memory_space<vmem>>
    %dma_wait3A_595 = arith.constant 0 : i32
    %dma_wait3A_596 = tpu.memref_slice %arg5[%dma_wait3A_589, %dma_wait3A_595] : memref<32x128xi32, #tpu.memory_space<vmem>> -> memref<1x128xi32, #tpu.memory_space<vmem>>
    %dma_wait3A_597 = tpu.memref_squeeze %dma_wait3A_596 : memref<1x128xi32, #tpu.memory_space<vmem>> -> memref<128xi32, #tpu.memory_space<vmem>>
    %dma_wait3A_598 = arith.constant 0 : i32
    %dma_wait3A_599 = arith.constant 0 : i32
    %dma_wait3A_600 = tpu.memref_slice %arg2[%dma_wait3A_598, %dma_wait3A_599] : memref<2600000x16xf32, #tpu.memory_space<hbm>> -> memref<2600000x16xf32, #tpu.memory_space<hbm>>
    tpu.wait_indirect_dma semaphore(%arg7 : memref<!tpu.dma_semaphore, #tpu.memory_space<semaphore_mem>>) src(%dma_wait3A_600 : memref<2600000x16xf32, #tpu.memory_space<hbm>>) dst(%dma_wait3A_594 : memref<128x16xf32, #tpu.memory_space<vmem>>)
    %dma_wait3A_601 = arith.constant 24 : i32
    %dma_wait3A_602 = arith.constant 24 : i32
    %dma_wait3A_603 = arith.constant 0 : i32
    %dma_wait3A_604 = arith.constant 0 : i32
    %dma_wait3A_605 = tpu.memref_slice %arg6[%dma_wait3A_602, %dma_wait3A_603, %dma_wait3A_604] : memref<26x128x16xf32, #tpu.memory_space<vmem>> -> memref<1x128x16xf32, #tpu.memory_space<vmem>>
    %dma_wait3A_606 = tpu.memref_squeeze %dma_wait3A_605 : memref<1x128x16xf32, #tpu.memory_space<vmem>> -> memref<128x16xf32, #tpu.memory_space<vmem>>
    %dma_wait3A_607 = arith.constant 0 : i32
    %dma_wait3A_608 = tpu.memref_slice %arg5[%dma_wait3A_601, %dma_wait3A_607] : memref<32x128xi32, #tpu.memory_space<vmem>> -> memref<1x128xi32, #tpu.memory_space<vmem>>
    %dma_wait3A_609 = tpu.memref_squeeze %dma_wait3A_608 : memref<1x128xi32, #tpu.memory_space<vmem>> -> memref<128xi32, #tpu.memory_space<vmem>>
    %dma_wait3A_610 = arith.constant 0 : i32
    %dma_wait3A_611 = arith.constant 0 : i32
    %dma_wait3A_612 = tpu.memref_slice %arg2[%dma_wait3A_610, %dma_wait3A_611] : memref<2600000x16xf32, #tpu.memory_space<hbm>> -> memref<2600000x16xf32, #tpu.memory_space<hbm>>
    tpu.wait_indirect_dma semaphore(%arg7 : memref<!tpu.dma_semaphore, #tpu.memory_space<semaphore_mem>>) src(%dma_wait3A_612 : memref<2600000x16xf32, #tpu.memory_space<hbm>>) dst(%dma_wait3A_606 : memref<128x16xf32, #tpu.memory_space<vmem>>)
    %dma_wait3A_613 = arith.constant 25 : i32
    %dma_wait3A_614 = arith.constant 25 : i32
    %dma_wait3A_615 = arith.constant 0 : i32
    %dma_wait3A_616 = arith.constant 0 : i32
    %dma_wait3A_617 = tpu.memref_slice %arg6[%dma_wait3A_614, %dma_wait3A_615, %dma_wait3A_616] : memref<26x128x16xf32, #tpu.memory_space<vmem>> -> memref<1x128x16xf32, #tpu.memory_space<vmem>>
    %dma_wait3A_618 = tpu.memref_squeeze %dma_wait3A_617 : memref<1x128x16xf32, #tpu.memory_space<vmem>> -> memref<128x16xf32, #tpu.memory_space<vmem>>
    %dma_wait3A_619 = arith.constant 0 : i32
    %dma_wait3A_620 = tpu.memref_slice %arg5[%dma_wait3A_613, %dma_wait3A_619] : memref<32x128xi32, #tpu.memory_space<vmem>> -> memref<1x128xi32, #tpu.memory_space<vmem>>
    %dma_wait3A_621 = tpu.memref_squeeze %dma_wait3A_620 : memref<1x128xi32, #tpu.memory_space<vmem>> -> memref<128xi32, #tpu.memory_space<vmem>>
    %dma_wait3A_622 = arith.constant 0 : i32
    %dma_wait3A_623 = arith.constant 0 : i32
    %dma_wait3A_624 = tpu.memref_slice %arg2[%dma_wait3A_622, %dma_wait3A_623] : memref<2600000x16xf32, #tpu.memory_space<hbm>> -> memref<2600000x16xf32, #tpu.memory_space<hbm>>
    tpu.wait_indirect_dma semaphore(%arg7 : memref<!tpu.dma_semaphore, #tpu.memory_space<semaphore_mem>>) src(%dma_wait3A_624 : memref<2600000x16xf32, #tpu.memory_space<hbm>>) dst(%dma_wait3A_618 : memref<128x16xf32, #tpu.memory_space<vmem>>)
    %mul3A_625 = arith.constant 26 : i32
    %mul3A_626 = arith.muli %add3A, %mul3A_625 : i32
    "tpu.region"() ({
      %run_scoped3A = tpu.sem_alloc : memref<!tpu.dma_semaphore, #tpu.memory_space<semaphore_mem>>
      %dma_start3A_627 = arith.constant 0 : i32
      %dma_start3A_628 = arith.constant 0 : i32
      %dma_start3A_629 = tpu.memref_slice %arg4[%mul3A_626, %dma_start3A_627, %dma_start3A_628] : memref<832x128x16xf32, #tpu.memory_space<hbm>> -> memref<26x128x16xf32, #tpu.memory_space<hbm>>
      %dma_start3A_630 = arith.constant 0 : i32
      %dma_start3A_631 = arith.constant 0 : i32
      %dma_start3A_632 = tpu.memref_slice %arg4[%mul3A_626, %dma_start3A_630, %dma_start3A_631] : memref<832x128x16xf32, #tpu.memory_space<hbm>> -> memref<26x128x16xf32, #tpu.memory_space<hbm>>
      tpu.enqueue_dma source(%arg6 : memref<26x128x16xf32, #tpu.memory_space<vmem>>) target(%dma_start3A_632 : memref<26x128x16xf32, #tpu.memory_space<hbm>>) target_semaphore(%run_scoped3A : memref<!tpu.dma_semaphore, #tpu.memory_space<semaphore_mem>>)
      %dma_wait3A_633 = arith.constant 0 : i32
      %dma_wait3A_634 = arith.constant 0 : i32
      %dma_wait3A_635 = tpu.memref_slice %arg4[%mul3A_626, %dma_wait3A_633, %dma_wait3A_634] : memref<832x128x16xf32, #tpu.memory_space<hbm>> -> memref<26x128x16xf32, #tpu.memory_space<hbm>>
      %dma_wait3A_636 = arith.constant 0 : i32
      %dma_wait3A_637 = arith.constant 0 : i32
      %dma_wait3A_638 = tpu.memref_slice %arg4[%mul3A_626, %dma_wait3A_636, %dma_wait3A_637] : memref<832x128x16xf32, #tpu.memory_space<hbm>> -> memref<26x128x16xf32, #tpu.memory_space<hbm>>
      tpu.wait_dma2 semaphore(%run_scoped3A : memref<!tpu.dma_semaphore, #tpu.memory_space<semaphore_mem>>) src(%arg6 : memref<26x128x16xf32, #tpu.memory_space<vmem>>) dst(%dma_wait3A_638 : memref<26x128x16xf32, #tpu.memory_space<hbm>>)
      tpu.yield
    }) : () -> ()
    return
  }
}

module attributes {stable_mosaic.version = 14 : i64} {
  func.func @_interact_body(%arg0: i32, %arg1: memref<512x416xf32, #tpu.memory_space<vmem>>, %arg2: memref<416x416xf32, #tpu.memory_space<vmem>>, %arg3: memref<1x416xf32, #tpu.memory_space<vmem>>, %arg4: memref<1xf32, #tpu.memory_space<smem>>, %arg5: memref<512x1xf32, #tpu.memory_space<vmem>>) attributes {dimension_semantics = [#tpu.dimension_semantics<arbitrary>], iteration_bounds = array<i64: 8>, scalar_prefetch = 0 : i64, scratch_operands = 0 : i64, tpu.core_type = #tpu.core_type<tc>, window_params = [{transform_indices = @transform_0, window_bounds = array<i64: 512, 416>}, {pipeline_mode = #tpu.pipeline_mode<synchronous>, transform_indices = @transform_1, window_bounds = array<i64: 416, 416>}, {pipeline_mode = #tpu.pipeline_mode<synchronous>, transform_indices = @transform_2, window_bounds = array<i64: 1, 416>}, {transform_indices = @transform_3, window_bounds = array<i64: 1>}, {transform_indices = @transform_4, window_bounds = array<i64: 512, 1>}]} {
    %get3A = arith.constant 0 : index
    %get3A_0 = arith.constant 0 : index
    %get3A_1 = vector.load %arg1[%get3A, %get3A_0] : memref<512x416xf32, #tpu.memory_space<vmem>>, vector<512x416xf32>
    %get3A_2 = arith.constant 0 : index
    %get3A_3 = arith.constant 0 : index
    %get3A_4 = vector.load %arg2[%get3A_2, %get3A_3] : memref<416x416xf32, #tpu.memory_space<vmem>>, vector<416x416xf32>
    %dot_general3A = arith.constant dense<0.000000e+00> : vector<512x416xf32>
    %dot_general3A_5 = tpu.matmul %get3A_1, %get3A_4, %dot_general3A {dimension_numbers = #tpu.dot_dimension_numbers<[1], [0], [0], [1], [0, 0, 1, 1], [], []>, transpose_lhs_hint = false} : vector<512x416xf32>, vector<416x416xf32>, vector<512x416xf32> -> vector<512x416xf32>
    %get3A_6 = arith.constant 0 : index
    %get3A_7 = arith.constant 0 : index
    %get3A_8 = vector.load %arg3[%get3A_6, %get3A_7] : memref<1x416xf32, #tpu.memory_space<vmem>>, vector<1x416xf32>
    %add3A = vector.broadcast %get3A_8 : vector<1x416xf32> to vector<512x416xf32>
    %add3A_9 = arith.addf %dot_general3A_5, %add3A : vector<512x416xf32>
    %mul3A = arith.mulf %get3A_1, %add3A_9 : vector<512x416xf32>
    %reduce_sum3A = arith.constant dense<0.000000e+00> : vector<512xf32>
    %reduce_sum3A_10 = vector.multi_reduction <add>, %mul3A, %reduce_sum3A [1] : vector<512x416xf32> to vector<512xf32>
    %broadcast_in_dim3A = vector.shape_cast %reduce_sum3A_10 : vector<512xf32> to vector<512x1xf32>
    %get3A_11 = arith.constant 0 : index
    %get3A_12 = memref.load %arg4[%get3A_11] : memref<1xf32, #tpu.memory_space<smem>>
    %add3A_13 = vector.broadcast %get3A_12 : f32 to vector<512x1xf32>
    %add3A_14 = arith.addf %broadcast_in_dim3A, %add3A_13 : vector<512x1xf32>
    %swap3A = arith.constant 0 : index
    %swap3A_15 = arith.constant 0 : index
    %swap3A_16 = vector.load %arg5[%swap3A, %swap3A_15] : memref<512x1xf32, #tpu.memory_space<vmem>>, vector<512x1xf32>
    tpu.vector_store %arg5[%swap3A, %swap3A_15], %add3A_14 {strides = array<i32>} : memref<512x1xf32, #tpu.memory_space<vmem>>, vector<512x1xf32>,
    return
  }
  func.func @transform_0(%arg0: i32) -> (i32, i32) {
    %c0_i32 = arith.constant 0 : i32
    %c0_i32_0 = arith.constant 0 : i32
    return %arg0, %c0_i32 : i32, i32
  }
  func.func @transform_1(%arg0: i32) -> (i32, i32) {
    %c0_i32 = arith.constant 0 : i32
    %c0_i32_0 = arith.constant 0 : i32
    %c0_i32_1 = arith.constant 0 : i32
    return %c0_i32, %c0_i32_0 : i32, i32
  }
  func.func @transform_2(%arg0: i32) -> (i32, i32) {
    %c0_i32 = arith.constant 0 : i32
    %c0_i32_0 = arith.constant 0 : i32
    %c0_i32_1 = arith.constant 0 : i32
    return %c0_i32, %c0_i32_0 : i32, i32
  }
  func.func @transform_3(%arg0: i32) -> i32 {
    %c0_i32 = arith.constant 0 : i32
    %c0_i32_0 = arith.constant 0 : i32
    return %c0_i32 : i32
  }
  func.func @transform_4(%arg0: i32) -> (i32, i32) {
    %c0_i32 = arith.constant 0 : i32
    %c0_i32_0 = arith.constant 0 : i32
    return %arg0, %c0_i32 : i32, i32
  }
}

</mosaic_0001>

<sc_bundles>
// kernel: kernel.4.cloned.1.call-start
scs
__scs_entry_jumppad:
0x0: {  	(pc) =	sbr.rel $0x88, $3  }
0x1: {  	(tag) =	ssettag $0x0;
	lr =	simm.s32 $0x1  }
0x2: {  	[smem:$0x3F9C] =	sst lr;
	_ =	strace $0xD0000000  }
0x3: {  	_ = 	snop  }
0x4: {  	_ = 	snop  }
0x5: {  	_ = 	snop  }
0x6: {  	_ = 	snop  }
0x7: {  	_ = 	snop  }
__scs_overlays_trampoline_lowered:
0x8: {  	[smem:$0x3FAB] =	sst s0  }
0x9: {  	[smem:$0x3FAC] =	sst s1  }
0xa: {  	[smem:$0x3FAD] =	sst s2  }
0xb: {  	[smem:$0x3FAE] =	sst s3  }
0xc: {  	[smem:$0x3FAF] =	sst s4  }
0xd: {  	[smem:$0x3FB0] =	sst s5  }
0xe: {  	[smem:$0x3FB1] =	sst s6  }
0xf: {  	[smem:$0x3FB2] =	sst s7  }
0x10: {  	[smem:$0x3FB3] =	sst s8  }
0x11: {  	[smem:$0x3FB4] =	sst s9;
	s0 =	simm.s32 @!p0 $0x0  }
0x12: {  	s1 =	sld [smem:$0x3F9A];
	s0 =	simm.s32 @p0 $0x1  }
0x13: {  	[smem:$0x3FB5] =	sst s0;
	s0 =	simm.s32 @!p1 $0x0  }
0x14: {  	s2 =	sld [smem:$0x3F99];
	s0 =	simm.s32 @p1 $0x1  }
0x15: {  	[smem:$0x3FB6] =	sst s0;
	s0 =	simm.s32 @!p2 $0x0  }
0x16: {  	s3 =	sld [smem:$0x3FDB];
	s0 =	simm.s32 @p2 $0x1  }
0x17: {  	s4 =	simm.s32 $0x1BF5;
	[smem:$0x3FB8] =	sst s0  }
0x18: {  	s0 =	sld [smem:$0x3F9B];
	_ =	swait.ge [sflag:s4], $0x0  }
0x19: {  	s7 =	sld [smem:$0x3F9C]  }
0x1a: {  	s8 =	sadd.s32 $0xFFFFE003, lr  }
0x1b: {  	s9 =	sadd.s32 $0xFFFFFEF7, lr;
	s5 =	simm.s32 $0xFFFFFFFF;
	p2 =	slt.u32 s8, $0xFFFFF086  }
0x1c: {  	p1 =	slt.u32 s9, $0xF7A;
	s5 =	simm.s32 @!p2 $0x0  }
0x1d: {  	s5 =	simm.s32 @p1 $0x1;
	p0 =	seq.s32 s7, s2  }
0x1e: {  	s7 =	smul.u32 @!p0 $0xF7A, s2;
	p2 =	seq.s32 @!p0 s5, $0x0  }
0x1f: {  	s9 =	smul.u32 $0xF7A, s1;
	s8 =	simm.s32 @!p0 $0x1BF5;
	p2 =	por !p2, p0  }
0x20: {  	[sflag:s8] =	ssyncset.s32 @!p0 $0xFFFFF086;
	s6 =	sadd.s32 @!p0 s3, s7;
	s7 =	simm.s32 @!p0 $0x108  }
0x21: {  	s3 =	sadd.s32 s3, s9;
	s6 =	sadd.s32 @!p0 $0x88, s6;
	s7 =	simm.s32 @p2 $0x1082  }
0x22: {  	[simem:s7], [sflag:s8] =	dma.local @!p0 [hbm:s6], $0xF7A  }
0x23: {  	s9 =	sor.u32 $0xD0000000, s2;
	s6 =	simm.s32 $0x108;
	_ =	swait.ge @!p0 [sflag:s8], $0x0  }
0x24: {  	s3 =	sadd.s32 $0x88, s3;
	s6 =	simm.s32 @!p1 $0x1082;
	[sflag:s4] =	ssyncset.s32 $0xFFFFF086  }
0x25: {  	[simem:s6], [sflag:s4] =	dma.local [hbm:s3], $0xF7A  }
0x26: {  	[smem:$0x3F9C] =	sst s1;
	(tag) =	ssettag s2;
	_ =	strace s9  }
0x27: {  	s1 =	sld [smem:$0x3FAC]  }
0x28: {  	s2 =	sld [smem:$0x3FAD]  }
0x29: {  	s4 =	sld [smem:$0x3FAF]  }
0x2a: {  	p0 =	seq.s32 s5, $0x0;
	s5 =	sld [smem:$0x3FB0]  }
0x2b: {  	s6 =	sld [smem:$0x3FB1]  }
0x2c: {  	s7 =	sld [smem:$0x3FB2]  }
0x2d: {  	s3 =	simm.s32 $0x108;
	s8 =	sld [smem:$0x3FB3]  }
0x2e: {  	s3 =	simm.s32 @!p0 $0x1082;
	s9 =	sld [smem:$0x3FB4]  }
0x2f: {  	lr =	sadd.s32 s0, s3;
	s0 =	sld [smem:$0x3FAB]  }
0x30: {  	s3 =	sld [smem:$0x3FAE]  }
0x31: {  	[smem:$0x3FB7] =	sst s10  }
0x32: {  	s10 =	sld [smem:$0x3FB5];
	_ =	sdelay $0x3  }
0x33: {  	p0 =	seq.s32 s10, $0x1;
	s10 =	sld [smem:$0x3FB7];
	_ =	sdelay $0x3  }
0x34: {  	[smem:$0x3FB7] =	sst s10  }
0x35: {  	s10 =	sld [smem:$0x3FB6];
	_ =	sdelay $0x3  }
0x36: {  	p1 =	seq.s32 s10, $0x1;
	s10 =	sld [smem:$0x3FB7];
	_ =	sdelay $0x3  }
0x37: {  	[smem:$0x3FB7] =	sst s10  }
0x38: {  	s10 =	sld [smem:$0x3FB8]  }
0x39: {  	_ = 	snop;
	(pc) =	sbr.ind lr, $3  }
0x3a: {  	_ = 	snop  }
0x3b: {  	_ = 	snop  }
0x3c: {  	p2 =	seq.s32 s10, $0x1;
	s10 =	sld [smem:$0x3FB7]  }
0x3d: {  	_ =	shalt  }
0x3e: {  	_ =	shalt  }
0x3f: {  	_ =	shalt  }
0x40: {  	_ =	shalt  }
0x41: {  	_ =	shalt  }
0x42: {  	_ =	shalt  }
0x43: {  	_ =	shalt  }
0x44: {  	_ =	shalt  }
0x45: {  	_ =	shalt  }
0x46: {  	_ =	shalt  }
0x47: {  	_ =	shalt  }
0x48: {  	_ =	shalt  }
0x49: {  	_ =	shalt  }
0x4a: {  	_ =	shalt  }
0x4b: {  	_ =	shalt  }
0x4c: {  	_ =	shalt  }
0x4d: {  	_ =	shalt  }
0x4e: {  	_ =	shalt  }
0x4f: {  	_ =	shalt  }
0x50: {  	_ =	shalt  }
0x51: {  	_ =	shalt  }
0x52: {  	_ =	shalt  }
0x53: {  	_ =	shalt  }
0x54: {  	_ =	shalt  }
0x55: {  	_ =	shalt  }
0x56: {  	_ =	shalt  }
0x57: {  	_ =	shalt  }
0x58: {  	_ =	shalt  }
0x59: {  	_ =	shalt  }
0x5a: {  	_ =	shalt  }
0x5b: {  	_ =	shalt  }
0x5c: {  	_ =	shalt  }
0x5d: {  	_ =	shalt  }
0x5e: {  	_ =	shalt  }
0x5f: {  	_ =	shalt  }
0x60: {  	_ =	shalt  }
0x61: {  	_ =	shalt  }
0x62: {  	_ =	shalt  }
0x63: {  	_ =	shalt  }
0x64: {  	_ =	shalt  }
0x65: {  	_ =	shalt  }
0x66: {  	_ =	shalt  }
0x67: {  	_ =	shalt  }
0x68: {  	_ =	shalt  }
0x69: {  	_ =	shalt  }
0x6a: {  	_ =	shalt  }
0x6b: {  	_ =	shalt  }
0x6c: {  	_ =	shalt  }
0x6d: {  	_ =	shalt  }
0x6e: {  	_ =	shalt  }
0x6f: {  	_ =	shalt  }
0x70: {  	_ =	shalt  }
0x71: {  	_ =	shalt  }
0x72: {  	_ =	shalt  }
0x73: {  	_ =	shalt  }
0x74: {  	_ =	shalt  }
0x75: {  	_ =	shalt  }
0x76: {  	_ =	shalt  }
0x77: {  	_ =	shalt  }
0x78: {  	_ =	shalt  }
0x79: {  	_ =	shalt  }
0x7a: {  	_ =	shalt  }
0x7b: {  	_ =	shalt  }
0x7c: {  	_ =	shalt  }
0x7d: {  	_ =	shalt  }
0x7e: {  	_ =	shalt  }
0x7f: {  	_ =	shalt  }
0x80: {  	_ =	shalt  }
0x81: {  	_ =	shalt  }
0x82: {  	_ =	shalt  }
0x83: {  	_ =	shalt  }
0x84: {  	_ =	shalt  }
0x85: {  	_ =	shalt  }
0x86: {  	_ =	shalt  }
0x87: {  	_ =	shalt  }
.Lfunc_end0:
.L_simem_size_0:
called_computation_lowered:
.L_overlay_start_0:
0x88: {  	s2 =	sld [smem:$0x3FD9]  }
0x89: {  	s3 =	sld [smem:$0x3FFE];
	_ =	sdelay $0x1  }
0x8a: {  	s1 =	srdreg.scid  }
0x8b: {  	s0 =	sand.u32 $0x1, s1  }
0x8c: {  	s16 =	sshll.u32 s0, $0xA;
	s2 =	sadd.s32 s3, s2  }
0x8d: {  	s2 =	sadd.s32 s2, s16  }
0x8e: {  	[smem:$0x3FC3] =	sst s2  }
0x8f: {  	_ = 	snop  }
0x90: {  	(tm) =	ssettm $0x1  }
0x91: {  	s17 =	sld [smem:$0x3FFB];
	_ =	sdelay $0x3  }
0x92: {  	_ =	strace s17  }
0x93: {  	s2 =	sld [smem:$0x3FFC];
	_ =	sdelay $0x3  }
0x94: {  	_ =	strace s2  }
0x95: {  	s2 =	sld [smem:$0x3FFD];
	_ =	sdelay $0x3  }
0x96: {  	_ =	strace s2  }
0x97: {  	_ =	strace $0x8FFFFFFF  }
0x98: {  	s18 =	sld [smem:$0x3FDB];
	_ =	sdelay $0x1  }
0x99: {  	s19 =	simm.s32 $_scs_section_size  }
0x9a: {  	s4 =	simm.s32 $_size__tile_overlayer_lowered;
	s5 =	simm.s32 $_tile_overlayer_lowered  }
0x9b: {  	s22 =	simm.s32 $0x1BFF;
	s21 =	sshll.u32 s5, $0x1;
	s2 =	sadd.s32 s19, s18  }
0x9c: {  	s6 =	simm.s32 $0x0;
	s20 =	sshll.u32 s4, $0x1;
	s4 =	sadd.s32 s21, s2  }
0x9d: {  	[timem:s6], [sflag:s22] =	dma.local [hbm:s4], s20  }
0x9e: {  	_ =	swait.ge [sflag:s22], s20  }
0x9f: {  	s3 =	ssub.s32 $0x0, s20;
	[sflag:s22] =	ssyncset.done $0x0  }
0xa0: {  	[sflag:s22] =	ssyncadd.s32 s3;
	_ =	sdelay $0x1  }
0xa1: {  	s23 =	simm.s32 $0x1B8B  }
0xa2: {  	_ =	swait.ge [sflag:s23], $0x1  }
0xa3: {  	[sflag:s23] =	ssyncset.done $0x0  }
0xa4: {  	s25 =	simm.s32 $0x1B8E;
	s24 =	sld [smem:$0x3FFE];
	[sflag:s23] =	ssyncadd.s32 $0xFFFFFFFF  }
0xa5: {  	s26 =	simm.s32 $execute0_lowered;
	[smem:$0x3FD2] =	sst s25  }
0xa6: {  	s4 =	sshll.u32 s26, $0x1;
	_ =	strace $0x80000046;
	[dreg:$0x1] =	wrdreg $0xFFFFFFFF  }
0xa7: {  	s28 =	simm.s32 $_size_execute0_lowered;
	s2 =	sadd.s32 s2, s4;
	[dreg:$0x0] =	wrdreg $0x0  }
0xa8: {  	s4 =	sshll.u32 s28, $0x1;
	[dreg:$0x2] =	wrdreg s2  }
0xa9: {  	[dreg:$0x3] =	wrdreg s4  }
0xaa: {  	[dreg:$0x4] =	wrdreg $0xC0  }
0xab: {  	_ =	task [dreg:s6], $0x5FFFF  }
0xac: {  	[dreg:$0x1] =	wrdreg $0xFFFFFFFF  }
0xad: {  	[dreg:$0x0] =	wrdreg $0x60  }
0xae: {  	[dreg:$0x2] =	wrdreg s24  }
0xaf: {  	[dreg:$0x3] =	wrdreg $0x9  }
0xb0: {  	_ =	task.clear_ibuf [dreg:s6], $0x4FFFF;
	_ =	strace $0x90000046  }
0xb1: {  	s29 =	simm.s32 $0x9;
	_ =	strace $0x80000048  }
0xb2: {  	_ =	swait.ge [sflag:s29], $0x1  }
0xb3: {  	[sflag:s29] =	ssyncadd.s32 $0xFFFFFFFF  }
0xb4: {  	_ =	strace $0x90000048  }
0xb5: {  	_ =	sfence  }
0xb6: {  	s30 =	sld [smem:$0x0];
	_ =	sdelay $0x2  }
0xb7: {  	s31 =	sshll.u32 s1, $0xD;
	s1 =	sshrl.u32 s1, $0x2  }
0xb8: {  	s3 =	sand.u32 $0x4000, s31;
	s1 =	sadd.s32 s1, s30  }
0xb9: {  	s0 =	sor.u32 s3, s0;
	s1 =	sshll.u32 s1, $0x11  }
0xba: {  	s0 =	sor.u32 s1, s0  }
0xbb: {  	s0 =	sadd.s32 $0x8F2B, s0  }
0xbc: {  	[sflag:s0] =	ssyncadd.remote.s32 $0x1  }
0xbd: {  	_ =	sfence.sel $0xFFFF  }
0xbe: {  	[dreg:$0x0] =	wrdreg $0xFFFFFFFF;
	(pc) =	sbr.abs _section_cstart, $3  }
0xbf: {  	[dreg:$0x1] =	wrdreg $0xFFFFFFFF  }
0xc0: {  	_ =	task.clear_ibuf [dreg:s6], $0x2FFFF;
	_ =	strace $0x9FFFFFFF  }
0xc1: {  	(tm) =	ssettm $0x7FFFFFFF  }
tec
execute0_lowered:
.L_overlay_start_1:
0x0: {  	(tag) =	ssettag $0x1  }
0x1: {  	s2 =	stileid.u32  }
0x2: {  	s4 =	rddreg [dreg:$0x0];
	s20 =	sshll.u32 s2, $0x1;
	s2 =	simm.s32 $0x0  }
0x3: {  	s21 =	simm.s32 $0x1800;
	[smem:$0x7FF] =	sst s2  }
0x4: {  	s22 =	simm.s32 $0x100;
	_ =	strace $0x80000047;
	[dreg:$0x4] =	wrdreg s21  }
0x5: {  	s23 =	simm.s32 $0x2000;
	[dreg:$0x5] =	wrdreg s22  }
0x6: {  	s24 =	simm.s32 $0x180;
	[dreg:$0x6] =	wrdreg s23  }
0x7: {  	s25 =	simm.s32 $0x2800;
	[dreg:$0x7] =	wrdreg s24  }
0x8: {  	s26 =	simm.s32 $0x200;
	[dreg:$0x8] =	wrdreg s25  }
0x9: {  	s5 =	simm.s32 $0x280;
	[dreg:$0x9] =	wrdreg s26  }
0xa: {  	s6 =	simm.s32 $0x3800;
	[dreg:$0xb] =	wrdreg s5  }
0xb: {  	s7 =	simm.s32 $0x300;
	[dreg:$0xc] =	wrdreg s6  }
0xc: {  	s8 =	simm.s32 $0x4000;
	[dreg:$0xd] =	wrdreg s7  }
0xd: {  	s9 =	simm.s32 $0x380;
	[dreg:$0xe] =	wrdreg s8  }
0xe: {  	s10 =	simm.s32 $0x4800;
	[dreg:$0xf] =	wrdreg s9  }
0xf: {  	s11 =	simm.s32 $0x400;
	[dreg:$0x10] =	wrdreg s10  }
0x10: {  	s12 =	simm.s32 $0x5000;
	[dreg:$0x11] =	wrdreg s11  }
0x11: {  	s13 =	simm.s32 $0x480;
	[dreg:$0x12] =	wrdreg s12  }
0x12: {  	s14 =	simm.s32 $0x5800;
	[dreg:$0x13] =	wrdreg s13  }
0x13: {  	s15 =	simm.s32 $0x500;
	[dreg:$0x14] =	wrdreg s14  }
0x14: {  	s16 =	simm.s32 $0x6000;
	[dreg:$0x15] =	wrdreg s15  }
0x15: {  	s17 =	simm.s32 $0x580;
	[dreg:$0x16] =	wrdreg s16  }
0x16: {  	s0 =	srdreg.scid;
	s18 =	simm.s32 $0x6800;
	[dreg:$0x17] =	wrdreg s17  }
0x17: {  	s19 =	simm.s32 $0x600;
	s1 =	sand.u32 $0x1, s0;
	[dreg:$0x18] =	wrdreg s18  }
0x18: {  	s0 =	sor.u32 s1, s20;
	s20 =	simm.s32 $0x7000;
	[dreg:$0x19] =	wrdreg s19  }
0x19: {  	s3 =	sshll.u32 s0, $0x9;
	[dreg:$0x1a] =	wrdreg s20;
	s21 =	simm.s32 $0x680  }
0x1a: {  	s0 =	smul.u32 $0x1A00, s0;
	s22 =	simm.s32 $0x7800;
	[dreg:$0x1b] =	wrdreg s21  }
0x1b: {  	s23 =	simm.s32 $0x700;
	s3 =	sadd.s32 s3, s4;
	[dreg:$0x1c] =	wrdreg s22  }
0x1c: {  	[dreg:$0x1d] =	wrdreg s23;
	s0 =	sadd.s32 s0, s4;
	s3 =	sadd.s32 $0x800, s3  }
0x1d: {  	[dreg:$0x2] =	wrdreg s3;
	s0 =	sadd.s32 $0x4800, s0  }
0x1e: {  	s3 =	simm.s32 $0x3000;
	[dreg:$0x3] =	wrdreg s0  }
0x1f: {  	[dreg:$0xa] =	wrdreg s3  }
0x20: {  	s5 =	rddreg [dreg:$0x2];
	s3 =	simm.s32 $0x2  }
0x21: {  	[tilespmem:s2], [sflag:$0x2] =	stream.linear.gather [hbm4b:s5+s2], $0x1000, $0x38;
	[tilespmem:$0xE000] =	vst v63  }
0x22: {  	_ =	swait.ge [sflag:s3], $0x1000  }
0x23: {  	s0 =	rddreg [dreg:$0x1c]  }
0x24: {  	s7 =	rddreg [dreg:$0x1a]  }
0x25: {  	s8 =	rddreg [dreg:$0x18]  }
0x26: {  	s9 =	rddreg [dreg:$0x16]  }
0x27: {  	s10 =	rddreg [dreg:$0x14]  }
0x28: {  	s11 =	rddreg [dreg:$0x12]  }
0x29: {  	s12 =	rddreg [dreg:$0x10]  }
0x2a: {  	s13 =	rddreg [dreg:$0xe]  }
0x2b: {  	s14 =	rddreg [dreg:$0xc]  }
0x2c: {  	s6 =	simm.s32 $0x80;
	s15 =	rddreg [dreg:$0xa]  }
0x2d: {  	s5 =	sadd.s32 $0x27ACC00, s4;
	s16 =	rddreg [dreg:$0x5];
	[sflag:s3] =	ssyncset.done $0x0  }
0x2e: {  	s4 =	simm.s32 $0x1000;
	s17 =	rddreg [dreg:$0x4];
	[sflag:s3] =	ssyncadd.s32 $0xFFFFF000  }
0x2f: {  	[tilespmem:s4], [sflag:$0x1] =	stream.indirect.gather [hbm4b:s5+s6], $0x10, s2, s6, $0xb8;
	[tilespmem:$0xE000] =	vst v63  }
0x30: {  	s18 =	rddreg [dreg:$0x6]  }
0x31: {  	[tilespmem:s17], [sflag:$0x1] =	stream.indirect.gather [hbm4b:s5+s6], $0x10, s6, s6, $0xb8;
	[tilespmem:$0xE000] =	vst v63  }
0x32: {  	s19 =	rddreg [dreg:$0x8]  }
0x33: {  	[tilespmem:s18], [sflag:$0x1] =	stream.indirect.gather [hbm4b:s5+s6], $0x10, s16, s6, $0xb8;
	[tilespmem:$0xE000] =	vst v63  }
0x34: {  	s24 =	rddreg [dreg:$0x7]  }
0x35: {  	[tilespmem:s19], [sflag:$0x1] =	stream.indirect.gather [hbm4b:s5+s6], $0x10, s24, s6, $0xb8;
	[tilespmem:$0xE000] =	vst v63  }
0x36: {  	s25 =	rddreg [dreg:$0x9]  }
0x37: {  	[tilespmem:s15], [sflag:$0x1] =	stream.indirect.gather [hbm4b:s5+s6], $0x10, s25, s6, $0xb8;
	[tilespmem:$0xE000] =	vst v63  }
0x38: {  	s26 =	rddreg [dreg:$0xb]  }
0x39: {  	[tilespmem:s14], [sflag:$0x1] =	stream.indirect.gather [hbm4b:s5+s6], $0x10, s26, s6, $0xb8;
	[tilespmem:$0xE000] =	vst v63  }
0x3a: {  	s16 =	rddreg [dreg:$0xd]  }
0x3b: {  	[tilespmem:s13], [sflag:$0x1] =	stream.indirect.gather [hbm4b:s5+s6], $0x10, s16, s6, $0xb8;
	[tilespmem:$0xE000] =	vst v63  }
0x3c: {  	s18 =	rddreg [dreg:$0xf]  }
0x3d: {  	[tilespmem:s12], [sflag:$0x1] =	stream.indirect.gather [hbm4b:s5+s6], $0x10, s18, s6, $0xb8;
	[tilespmem:$0xE000] =	vst v63  }
0x3e: {  	s19 =	rddreg [dreg:$0x11]  }
0x3f: {  	[tilespmem:s11], [sflag:$0x1] =	stream.indirect.gather [hbm4b:s5+s6], $0x10, s19, s6, $0xb8;
	[tilespmem:$0xE000] =	vst v63  }
0x40: {  	s20 =	rddreg [dreg:$0x13]  }
0x41: {  	[tilespmem:s10], [sflag:$0x1] =	stream.indirect.gather [hbm4b:s5+s6], $0x10, s20, s6, $0xb8;
	[tilespmem:$0xE000] =	vst v63  }
0x42: {  	s21 =	rddreg [dreg:$0x15]  }
0x43: {  	[tilespmem:s9], [sflag:$0x1] =	stream.indirect.gather [hbm4b:s5+s6], $0x10, s21, s6, $0xb8;
	[tilespmem:$0xE000] =	vst v63  }
0x44: {  	s22 =	rddreg [dreg:$0x17]  }
0x45: {  	[tilespmem:s8], [sflag:$0x1] =	stream.indirect.gather [hbm4b:s5+s6], $0x10, s22, s6, $0xb8;
	[tilespmem:$0xE000] =	vst v63  }
0x46: {  	s23 =	rddreg [dreg:$0x19]  }
0x47: {  	[tilespmem:s7], [sflag:$0x1] =	stream.indirect.gather [hbm4b:s5+s6], $0x10, s23, s6, $0xb8;
	[tilespmem:$0xE000] =	vst v63  }
0x48: {  	s24 =	rddreg [dreg:$0x1b]  }
0x49: {  	[tilespmem:s0], [sflag:$0x1] =	stream.indirect.gather [hbm4b:s5+s6], $0x10, s24, s6, $0xb8;
	[tilespmem:$0xE000] =	vst v63  }
0x4a: {  	s25 =	rddreg [dreg:$0x1d];
	s26 =	simm.s32 $0x8000  }
0x4b: {  	[tilespmem:s26], [sflag:$0x1] =	stream.indirect.gather [hbm4b:s5+s6], $0x10, s25, s6, $0xb8;
	[tilespmem:$0xE000] =	vst v63  }
0x4c: {  	s8 =	simm.s32 $0x8800;
	s7 =	simm.s32 $0x780  }
0x4d: {  	[tilespmem:s8], [sflag:$0x1] =	stream.indirect.gather [hbm4b:s5+s6], $0x10, s7, s6, $0xb8;
	[tilespmem:$0xE000] =	vst v63  }
0x4e: {  	s10 =	simm.s32 $0x9000;
	s9 =	simm.s32 $0x800  }
0x4f: {  	[tilespmem:s10], [sflag:$0x1] =	stream.indirect.gather [hbm4b:s5+s6], $0x10, s9, s6, $0xb8;
	[tilespmem:$0xE000] =	vst v63  }
0x50: {  	s12 =	simm.s32 $0x9800;
	s11 =	simm.s32 $0x880  }
0x51: {  	[tilespmem:s12], [sflag:$0x1] =	stream.indirect.gather [hbm4b:s5+s6], $0x10, s11, s6, $0xb8;
	[tilespmem:$0xE000] =	vst v63  }
0x52: {  	s14 =	simm.s32 $0xA000;
	s13 =	simm.s32 $0x900  }
0x53: {  	[tilespmem:s14], [sflag:$0x1] =	stream.indirect.gather [hbm4b:s5+s6], $0x10, s13, s6, $0xb8;
	[tilespmem:$0xE000] =	vst v63  }
0x54: {  	s15 =	simm.s32 $0x980;
	s16 =	simm.s32 $0xA800  }
0x55: {  	[tilespmem:s16], [sflag:$0x1] =	stream.indirect.gather [hbm4b:s5+s6], $0x10, s15, s6, $0xb8;
	[tilespmem:$0xE000] =	vst v63  }
0x56: {  	s17 =	simm.s32 $0xA00;
	s18 =	simm.s32 $0xB000  }
0x57: {  	[tilespmem:s18], [sflag:$0x1] =	stream.indirect.gather [hbm4b:s5+s6], $0x10, s17, s6, $0xb8;
	[tilespmem:$0xE000] =	vst v63  }
0x58: {  	s20 =	simm.s32 $0xA80;
	s21 =	simm.s32 $0xB800  }
0x59: {  	[tilespmem:s21], [sflag:$0x1] =	stream.indirect.gather [hbm4b:s5+s6], $0x10, s20, s6, $0xb8;
	[tilespmem:$0xE000] =	vst v63  }
0x5a: {  	s22 =	simm.s32 $0xB00;
	s23 =	simm.s32 $0xC000  }
0x5b: {  	[tilespmem:s23], [sflag:$0x1] =	stream.indirect.gather [hbm4b:s5+s6], $0x10, s22, s6, $0xb8;
	[tilespmem:$0xE000] =	vst v63  }
0x5c: {  	s25 =	simm.s32 $0xB80;
	s26 =	simm.s32 $0xC800  }
0x5d: {  	[tilespmem:s26], [sflag:$0x1] =	stream.indirect.gather [hbm4b:s5+s6], $0x10, s25, s6, $0xb8;
	[tilespmem:$0xE000] =	vst v63  }
0x5e: {  	s28 =	simm.s32 $0xC00;
	s29 =	simm.s32 $0xD000  }
0x5f: {  	[tilespmem:s29], [sflag:$0x1] =	stream.indirect.gather [hbm4b:s5+s6], $0x10, s28, s6, $0xb8;
	[tilespmem:$0xE000] =	vst v63  }
0x60: {  	s30 =	simm.s32 $0xC80;
	s31 =	simm.s32 $0xD800;
	s24 =	simm.s32 $0x1  }
0x61: {  	[tilespmem:s31], [sflag:$0x1] =	stream.indirect.gather [hbm4b:s5+s6], $0x10, s30, s6, $0xb8;
	[tilespmem:$0xE000] =	vst v63  }
0x62: {  	_ =	swait.ge [sflag:s24], $0x800  }
0x63: {  	[sflag:s24] =	ssyncset.done $0x0  }
0x64: {  	[sflag:s24] =	ssyncadd.s32 $0xFFFFF800  }
0x65: {  	_ =	swait.ge [sflag:s24], $0x800  }
0x66: {  	[sflag:s24] =	ssyncset.done $0x0  }
0x67: {  	[sflag:s24] =	ssyncadd.s32 $0xFFFFF800  }
0x68: {  	_ =	swait.ge [sflag:s24], $0x800  }
0x69: {  	[sflag:s24] =	ssyncset.done $0x0  }
0x6a: {  	[sflag:s24] =	ssyncadd.s32 $0xFFFFF800  }
0x6b: {  	_ =	swait.ge [sflag:s24], $0x800  }
0x6c: {  	[sflag:s24] =	ssyncset.done $0x0  }
0x6d: {  	[sflag:s24] =	ssyncadd.s32 $0xFFFFF800  }
0x6e: {  	_ =	swait.ge [sflag:s24], $0x800  }
0x6f: {  	[sflag:s24] =	ssyncset.done $0x0  }
0x70: {  	[sflag:s24] =	ssyncadd.s32 $0xFFFFF800  }
0x71: {  	_ =	swait.ge [sflag:s24], $0x800  }
0x72: {  	[sflag:s24] =	ssyncset.done $0x0  }
0x73: {  	[sflag:s24] =	ssyncadd.s32 $0xFFFFF800  }
0x74: {  	_ =	swait.ge [sflag:s24], $0x800  }
0x75: {  	[sflag:s24] =	ssyncset.done $0x0  }
0x76: {  	[sflag:s24] =	ssyncadd.s32 $0xFFFFF800  }
0x77: {  	_ =	swait.ge [sflag:s24], $0x800  }
0x78: {  	[sflag:s24] =	ssyncset.done $0x0  }
0x79: {  	[sflag:s24] =	ssyncadd.s32 $0xFFFFF800  }
0x7a: {  	_ =	swait.ge [sflag:s24], $0x800  }
0x7b: {  	[sflag:s24] =	ssyncset.done $0x0  }
0x7c: {  	[sflag:s24] =	ssyncadd.s32 $0xFFFFF800  }
0x7d: {  	_ =	swait.ge [sflag:s24], $0x800  }
0x7e: {  	[sflag:s24] =	ssyncset.done $0x0  }
0x7f: {  	[sflag:s24] =	ssyncadd.s32 $0xFFFFF800  }
0x80: {  	_ =	swait.ge [sflag:s24], $0x800  }
0x81: {  	[sflag:s24] =	ssyncset.done $0x0  }
0x82: {  	[sflag:s24] =	ssyncadd.s32 $0xFFFFF800  }
0x83: {  	_ =	swait.ge [sflag:s24], $0x800  }
0x84: {  	[sflag:s24] =	ssyncset.done $0x0  }
0x85: {  	[sflag:s24] =	ssyncadd.s32 $0xFFFFF800  }
0x86: {  	_ =	swait.ge [sflag:s24], $0x800  }
0x87: {  	[sflag:s24] =	ssyncset.done $0x0  }
0x88: {  	[sflag:s24] =	ssyncadd.s32 $0xFFFFF800  }
0x89: {  	_ =	swait.ge [sflag:s24], $0x800  }
0x8a: {  	[sflag:s24] =	ssyncset.done $0x0  }
0x8b: {  	[sflag:s24] =	ssyncadd.s32 $0xFFFFF800  }
0x8c: {  	_ =	swait.ge [sflag:s24], $0x800  }
0x8d: {  	[sflag:s24] =	ssyncset.done $0x0  }
0x8e: {  	[sflag:s24] =	ssyncadd.s32 $0xFFFFF800  }
0x8f: {  	_ =	swait.ge [sflag:s24], $0x800  }
0x90: {  	[sflag:s24] =	ssyncset.done $0x0  }
0x91: {  	[sflag:s24] =	ssyncadd.s32 $0xFFFFF800  }
0x92: {  	_ =	swait.ge [sflag:s24], $0x800  }
0x93: {  	[sflag:s24] =	ssyncset.done $0x0  }
0x94: {  	[sflag:s24] =	ssyncadd.s32 $0xFFFFF800  }
0x95: {  	_ =	swait.ge [sflag:s24], $0x800  }
0x96: {  	[sflag:s24] =	ssyncset.done $0x0  }
0x97: {  	[sflag:s24] =	ssyncadd.s32 $0xFFFFF800  }
0x98: {  	_ =	swait.ge [sflag:s24], $0x800  }
0x99: {  	[sflag:s24] =	ssyncset.done $0x0  }
0x9a: {  	[sflag:s24] =	ssyncadd.s32 $0xFFFFF800  }
0x9b: {  	_ =	swait.ge [sflag:s24], $0x800  }
0x9c: {  	[sflag:s24] =	ssyncset.done $0x0  }
0x9d: {  	[sflag:s24] =	ssyncadd.s32 $0xFFFFF800  }
0x9e: {  	s19 =	ssub.s32 $0x2, s1;
	_ =	swait.ge [sflag:s24], $0x800  }
0x9f: {  	s1 =	sshrl.u32 s19, $0x1;
	[sflag:s24] =	ssyncset.done $0x0  }
0xa0: {  	s0 =	ssub.s32 s19, s1;
	[sflag:s24] =	ssyncadd.s32 $0xFFFFF800  }
0xa1: {  	s0 =	smax.u32 s0, $0x1;
	_ =	swait.ge [sflag:s24], $0x800  }
0xa2: {  	p0 =	sne.s32 s0, $0x1;
	[sflag:s24] =	ssyncset.done $0x0  }
.Ltmp0:
0xa3: {  	[sflag:s24] =	ssyncadd.s32 $0xFFFFF800;
	(pc) =	sbr.rel @!p0 .LBB2_2-.Ltmp0, $4  }
0xa4: {  	_ =	swait.ge [sflag:s24], $0x800  }
0xa5: {  	[sflag:s24] =	ssyncset.done $0x0  }
0xa6: {  	[sflag:s24] =	ssyncadd.s32 $0xFFFFF800  }
0xa7: {  	s1 =	sadd.s32 $0xFFFFFFFF, s0;
	_ =	swait.ge [sflag:s24], $0x800  }
.LBB2_1:
0xa8: {  	[sflag:s24] =	ssyncset.done $0x0  }
0xa9: {  	[sflag:s24] =	ssyncadd.s32 $0xFFFFF800  }
0xaa: {  	_ =	swait.ge [sflag:s24], $0x800  }
0xab: {  	[sflag:s24] =	ssyncset.done $0x0  }
0xac: {  	[sflag:s24] =	ssyncadd.s32 $0xFFFFF800  }
0xad: {  	_ =	swait.ge [sflag:s24], $0x800  }
0xae: {  	[sflag:s24] =	ssyncset.done $0x0  }
0xaf: {  	s0 =	rddreg [dreg:$0x3];
	[sflag:s24] =	ssyncadd.s32 $0xFFFFF800  }
0xb0: {  	[hbm4b:s0+s2] =	stream.linear.scatter [tilespmem:s4], [sflag:$0x2], $0xD000, $0x38;
	[tilespmem:$0xE000] =	vst v63  }
0xb1: {  	_ =	swait.ge [sflag:s3], $0xD000  }
0xb2: {  	[sflag:s3] =	ssyncset.done $0x0  }
0xb3: {  	s17 =	rddreg [dreg:$0x2];
	[sflag:s3] =	ssyncadd.s32 $0xFFFF3000  }
0xb4: {  	[tilespmem:s2], [sflag:$0x2] =	stream.linear.gather [hbm4b:s17+s2], $0x1000, $0x38;
	[tilespmem:$0xE000] =	vst v63  }
0xb5: {  	_ =	swait.ge [sflag:s3], $0x1000  }
0xb6: {  	s0 =	rddreg [dreg:$0x1c]  }
0xb7: {  	s7 =	rddreg [dreg:$0x1a]  }
0xb8: {  	s8 =	rddreg [dreg:$0x18]  }
0xb9: {  	s9 =	rddreg [dreg:$0x16]  }
0xba: {  	s10 =	rddreg [dreg:$0x14]  }
0xbb: {  	s11 =	rddreg [dreg:$0x12]  }
0xbc: {  	s12 =	rddreg [dreg:$0x10]  }
0xbd: {  	s13 =	rddreg [dreg:$0xe]  }
0xbe: {  	s14 =	rddreg [dreg:$0xc]  }
0xbf: {  	s15 =	rddreg [dreg:$0xa]  }
0xc0: {  	s16 =	rddreg [dreg:$0x5];
	[sflag:s3] =	ssyncset.done $0x0  }
0xc1: {  	s17 =	rddreg [dreg:$0x4];
	[sflag:s3] =	ssyncadd.s32 $0xFFFFF000  }
0xc2: {  	[tilespmem:s4], [sflag:$0x1] =	stream.indirect.gather [hbm4b:s5+s6], $0x10, s2, s6, $0xb8;
	[tilespmem:$0xE000] =	vst v63  }
0xc3: {  	s18 =	rddreg [dreg:$0x6]  }
0xc4: {  	[tilespmem:s17], [sflag:$0x1] =	stream.indirect.gather [hbm4b:s5+s6], $0x10, s6, s6, $0xb8;
	[tilespmem:$0xE000] =	vst v63  }
0xc5: {  	s19 =	rddreg [dreg:$0x8]  }
0xc6: {  	[tilespmem:s18], [sflag:$0x1] =	stream.indirect.gather [hbm4b:s5+s6], $0x10, s16, s6, $0xb8;
	[tilespmem:$0xE000] =	vst v63  }
0xc7: {  	s17 =	rddreg [dreg:$0x7]  }
0xc8: {  	[tilespmem:s19], [sflag:$0x1] =	stream.indirect.gather [hbm4b:s5+s6], $0x10, s17, s6, $0xb8;
	[tilespmem:$0xE000] =	vst v63  }
0xc9: {  	s18 =	rddreg [dreg:$0x9]  }
0xca: {  	[tilespmem:s15], [sflag:$0x1] =	stream.indirect.gather [hbm4b:s5+s6], $0x10, s18, s6, $0xb8;
	[tilespmem:$0xE000] =	vst v63  }
0xcb: {  	s19 =	rddreg [dreg:$0xb]  }
0xcc: {  	[tilespmem:s14], [sflag:$0x1] =	stream.indirect.gather [hbm4b:s5+s6], $0x10, s19, s6, $0xb8;
	[tilespmem:$0xE000] =	vst v63  }
0xcd: {  	s16 =	rddreg [dreg:$0xd]  }
0xce: {  	[tilespmem:s13], [sflag:$0x1] =	stream.indirect.gather [hbm4b:s5+s6], $0x10, s16, s6, $0xb8;
	[tilespmem:$0xE000] =	vst v63  }
0xcf: {  	s17 =	rddreg [dreg:$0xf]  }
0xd0: {  	[tilespmem:s12], [sflag:$0x1] =	stream.indirect.gather [hbm4b:s5+s6], $0x10, s17, s6, $0xb8;
	[tilespmem:$0xE000] =	vst v63  }
0xd1: {  	s18 =	rddreg [dreg:$0x11]  }
0xd2: {  	[tilespmem:s11], [sflag:$0x1] =	stream.indirect.gather [hbm4b:s5+s6], $0x10, s18, s6, $0xb8;
	[tilespmem:$0xE000] =	vst v63  }
0xd3: {  	s19 =	rddreg [dreg:$0x13]  }
0xd4: {  	[tilespmem:s10], [sflag:$0x1] =	stream.indirect.gather [hbm4b:s5+s6], $0x10, s19, s6, $0xb8;
	[tilespmem:$0xE000] =	vst v63  }
0xd5: {  	s14 =	rddreg [dreg:$0x15]  }
0xd6: {  	[tilespmem:s9], [sflag:$0x1] =	stream.indirect.gather [hbm4b:s5+s6], $0x10, s14, s6, $0xb8;
	[tilespmem:$0xE000] =	vst v63  }
0xd7: {  	s15 =	rddreg [dreg:$0x17]  }
0xd8: {  	[tilespmem:s8], [sflag:$0x1] =	stream.indirect.gather [hbm4b:s5+s6], $0x10, s15, s6, $0xb8;
	[tilespmem:$0xE000] =	vst v63  }
0xd9: {  	s16 =	rddreg [dreg:$0x19]  }
0xda: {  	[tilespmem:s7], [sflag:$0x1] =	stream.indirect.gather [hbm4b:s5+s6], $0x10, s16, s6, $0xb8;
	[tilespmem:$0xE000] =	vst v63  }
0xdb: {  	s17 =	rddreg [dreg:$0x1b]  }
0xdc: {  	[tilespmem:s0], [sflag:$0x1] =	stream.indirect.gather [hbm4b:s5+s6], $0x10, s17, s6, $0xb8;
	[tilespmem:$0xE000] =	vst v63  }
0xdd: {  	s18 =	rddreg [dreg:$0x1d];
	s19 =	simm.s32 $0x8000  }
0xde: {  	[tilespmem:s19], [sflag:$0x1] =	stream.indirect.gather [hbm4b:s5+s6], $0x10, s18, s6, $0xb8;
	[tilespmem:$0xE000] =	vst v63  }
0xdf: {  	s9 =	simm.s32 $0x8800;
	s8 =	simm.s32 $0x780  }
0xe0: {  	[tilespmem:s9], [sflag:$0x1] =	stream.indirect.gather [hbm4b:s5+s6], $0x10, s8, s6, $0xb8;
	[tilespmem:$0xE000] =	vst v63  }
0xe1: {  	s11 =	simm.s32 $0x9000;
	s10 =	simm.s32 $0x800  }
0xe2: {  	[tilespmem:s11], [sflag:$0x1] =	stream.indirect.gather [hbm4b:s5+s6], $0x10, s10, s6, $0xb8;
	[tilespmem:$0xE000] =	vst v63  }
0xe3: {  	s13 =	simm.s32 $0x9800;
	s12 =	simm.s32 $0x880  }
0xe4: {  	[tilespmem:s13], [sflag:$0x1] =	stream.indirect.gather [hbm4b:s5+s6], $0x10, s12, s6, $0xb8;
	[tilespmem:$0xE000] =	vst v63  }
0xe5: {  	s14 =	simm.s32 $0x900;
	s15 =	simm.s32 $0xA000  }
0xe6: {  	[tilespmem:s15], [sflag:$0x1] =	stream.indirect.gather [hbm4b:s5+s6], $0x10, s14, s6, $0xb8;
	[tilespmem:$0xE000] =	vst v63  }
0xe7: {  	s16 =	simm.s32 $0x980;
	s17 =	simm.s32 $0xA800  }
0xe8: {  	[tilespmem:s17], [sflag:$0x1] =	stream.indirect.gather [hbm4b:s5+s6], $0x10, s16, s6, $0xb8;
	[tilespmem:$0xE000] =	vst v63  }
0xe9: {  	s18 =	simm.s32 $0xA00;
	s19 =	simm.s32 $0xB000  }
0xea: {  	[tilespmem:s19], [sflag:$0x1] =	stream.indirect.gather [hbm4b:s5+s6], $0x10, s18, s6, $0xb8;
	[tilespmem:$0xE000] =	vst v63  }
0xeb: {  	_ = 	snop  }
0xec: {  	[tilespmem:s21], [sflag:$0x1] =	stream.indirect.gather [hbm4b:s5+s6], $0x10, s20, s6, $0xb8;
	[tilespmem:$0xE000] =	vst v63  }
0xed: {  	_ = 	snop  }
0xee: {  	[tilespmem:s23], [sflag:$0x1] =	stream.indirect.gather [hbm4b:s5+s6], $0x10, s22, s6, $0xb8;
	[tilespmem:$0xE000] =	vst v63  }
0xef: {  	_ = 	snop  }
0xf0: {  	[tilespmem:s26], [sflag:$0x1] =	stream.indirect.gather [hbm4b:s5+s6], $0x10, s25, s6, $0xb8;
	[tilespmem:$0xE000] =	vst v63  }
0xf1: {  	_ = 	snop  }
0xf2: {  	[tilespmem:s29], [sflag:$0x1] =	stream.indirect.gather [hbm4b:s5+s6], $0x10, s28, s6, $0xb8;
	[tilespmem:$0xE000] =	vst v63  }
0xf3: {  	_ = 	snop  }
0xf4: {  	[tilespmem:s31], [sflag:$0x1] =	stream.indirect.gather [hbm4b:s5+s6], $0x10, s30, s6, $0xb8;
	[tilespmem:$0xE000] =	vst v63  }
0xf5: {  	_ =	swait.ge [sflag:s24], $0x800  }
0xf6: {  	[sflag:s24] =	ssyncset.done $0x0  }
0xf7: {  	[sflag:s24] =	ssyncadd.s32 $0xFFFFF800  }
0xf8: {  	_ =	swait.ge [sflag:s24], $0x800  }
0xf9: {  	[sflag:s24] =	ssyncset.done $0x0  }
0xfa: {  	[sflag:s24] =	ssyncadd.s32 $0xFFFFF800  }
0xfb: {  	_ =	swait.ge [sflag:s24], $0x800  }
0xfc: {  	[sflag:s24] =	ssyncset.done $0x0  }
0xfd: {  	[sflag:s24] =	ssyncadd.s32 $0xFFFFF800  }
0xfe: {  	_ =	swait.ge [sflag:s24], $0x800  }
0xff: {  	[sflag:s24] =	ssyncset.done $0x0  }
0x100: {  	[sflag:s24] =	ssyncadd.s32 $0xFFFFF800  }
0x101: {  	_ =	swait.ge [sflag:s24], $0x800  }
0x102: {  	[sflag:s24] =	ssyncset.done $0x0  }
0x103: {  	[sflag:s24] =	ssyncadd.s32 $0xFFFFF800  }
0x104: {  	_ =	swait.ge [sflag:s24], $0x800  }
0x105: {  	[sflag:s24] =	ssyncset.done $0x0  }
0x106: {  	[sflag:s24] =	ssyncadd.s32 $0xFFFFF800  }
0x107: {  	_ =	swait.ge [sflag:s24], $0x800  }
0x108: {  	[sflag:s24] =	ssyncset.done $0x0  }
0x109: {  	[sflag:s24] =	ssyncadd.s32 $0xFFFFF800  }
0x10a: {  	_ =	swait.ge [sflag:s24], $0x800  }
0x10b: {  	[sflag:s24] =	ssyncset.done $0x0  }
0x10c: {  	[sflag:s24] =	ssyncadd.s32 $0xFFFFF800  }
0x10d: {  	_ =	swait.ge [sflag:s24], $0x800  }
0x10e: {  	[sflag:s24] =	ssyncset.done $0x0  }
0x10f: {  	[sflag:s24] =	ssyncadd.s32 $0xFFFFF800  }
0x110: {  	_ =	swait.ge [sflag:s24], $0x800  }
0x111: {  	[sflag:s24] =	ssyncset.done $0x0  }
0x112: {  	[sflag:s24] =	ssyncadd.s32 $0xFFFFF800  }
0x113: {  	_ =	swait.ge [sflag:s24], $0x800  }
0x114: {  	[sflag:s24] =	ssyncset.done $0x0  }
0x115: {  	[sflag:s24] =	ssyncadd.s32 $0xFFFFF800  }
0x116: {  	_ =	swait.ge [sflag:s24], $0x800  }
0x117: {  	[sflag:s24] =	ssyncset.done $0x0  }
0x118: {  	[sflag:s24] =	ssyncadd.s32 $0xFFFFF800  }
0x119: {  	_ =	swait.ge [sflag:s24], $0x800  }
0x11a: {  	[sflag:s24] =	ssyncset.done $0x0  }
0x11b: {  	[sflag:s24] =	ssyncadd.s32 $0xFFFFF800  }
0x11c: {  	_ =	swait.ge [sflag:s24], $0x800  }
0x11d: {  	[sflag:s24] =	ssyncset.done $0x0  }
0x11e: {  	[sflag:s24] =	ssyncadd.s32 $0xFFFFF800  }
0x11f: {  	_ =	swait.ge [sflag:s24], $0x800  }
0x120: {  	[sflag:s24] =	ssyncset.done $0x0  }
0x121: {  	[sflag:s24] =	ssyncadd.s32 $0xFFFFF800  }
0x122: {  	_ =	swait.ge [sflag:s24], $0x800  }
0x123: {  	[sflag:s24] =	ssyncset.done $0x0  }
0x124: {  	[sflag:s24] =	ssyncadd.s32 $0xFFFFF800  }
0x125: {  	_ =	swait.ge [sflag:s24], $0x800  }
0x126: {  	[sflag:s24] =	ssyncset.done $0x0  }
0x127: {  	[sflag:s24] =	ssyncadd.s32 $0xFFFFF800  }
0x128: {  	_ =	swait.ge [sflag:s24], $0x800  }
0x129: {  	[sflag:s24] =	ssyncset.done $0x0  }
0x12a: {  	[sflag:s24] =	ssyncadd.s32 $0xFFFFF800  }
0x12b: {  	_ =	swait.ge [sflag:s24], $0x800  }
0x12c: {  	[sflag:s24] =	ssyncset.done $0x0  }
0x12d: {  	[sflag:s24] =	ssyncadd.s32 $0xFFFFF800  }
0x12e: {  	_ =	swait.ge [sflag:s24], $0x800  }
0x12f: {  	[sflag:s24] =	ssyncset.done $0x0  }
0x130: {  	[sflag:s24] =	ssyncadd.s32 $0xFFFFF800  }
0x131: {  	_ =	swait.ge [sflag:s24], $0x800  }
0x132: {  	[sflag:s24] =	ssyncset.done $0x0  }
0x133: {  	[sflag:s24] =	ssyncadd.s32 $0xFFFFF800  }
0x134: {  	_ =	swait.ge [sflag:s24], $0x800  }
0x135: {  	p0 =	sne.s32 s1, $0x1;
	[sflag:s24] =	ssyncset.done $0x0  }
.Ltmp1:
0x136: {  	[sflag:s24] =	ssyncadd.s32 $0xFFFFF800;
	(pc) =	sbr.rel @p0 .LBB2_1-.Ltmp1, $4  }
0x137: {  	_ =	swait.ge [sflag:s24], $0x800  }
0x138: {  	[sflag:s24] =	ssyncset.done $0x0  }
0x139: {  	[sflag:s24] =	ssyncadd.s32 $0xFFFFF800  }
0x13a: {  	s1 =	sadd.s32 $0xFFFFFFFF, s1;
	_ =	swait.ge [sflag:s24], $0x800  }
.LBB2_2:
0x13b: {  	[sflag:s24] =	ssyncset.done $0x0  }
0x13c: {  	[sflag:s24] =	ssyncadd.s32 $0xFFFFF800  }
0x13d: {  	_ =	swait.ge [sflag:s24], $0x800  }
0x13e: {  	[sflag:s24] =	ssyncset.done $0x0  }
0x13f: {  	[sflag:s24] =	ssyncadd.s32 $0xFFFFF800  }
0x140: {  	_ =	swait.ge [sflag:s24], $0x800  }
0x141: {  	[sflag:s24] =	ssyncset.done $0x0  }
0x142: {  	s0 =	rddreg [dreg:$0x3];
	[sflag:s24] =	ssyncadd.s32 $0xFFFFF800  }
0x143: {  	[hbm4b:s0+s2] =	stream.linear.scatter [tilespmem:s4], [sflag:$0x2], $0xD000, $0x38;
	[tilespmem:$0xE000] =	vst v63  }
0x144: {  	_ =	swait.ge [sflag:s3], $0xD000  }
0x145: {  	[sflag:s3] =	ssyncset.done $0x0  }
0x146: {  	[sflag:s3] =	ssyncadd.s32 $0xFFFF3000  }
0x147: {  	_ =	sfence.sel $0x180000  }
0x148: {  	[bflag:$0x0] =	sbarrier.arrive $0xFFFF  }
0x149: {  	_ =	strace $0x90000047  }
0x14a: {  	s31 =	stileid.u32;
	[bflag:$0x2] =	sbarrier.arrive $0xFFFF  }
0x14b: {  	p0 =	sne.s32 s31, $0x0;
	s0 =	rddreg [dreg:$0x1]  }
0x14c: {  	s0 =	sadd.s32 @!p0 $0x100000, s0  }
0x14d: {  	[sflag:s0] =	ssyncadd.tile.s32 @!p0 $0x1;
	_ =	shalt  }
.Lfunc_end2:
_tile_overlayer_lowered:
.L_overlay_start_2:
0x14e: {  	(tag) =	ssettag $0x2  }
0x14f: {  	s0 =	rddreg [dreg:$0x0];
	s2 =	stileid.u32  }
0x150: {  	s1 =	rddreg [dreg:$0x1];
	p0 =	sne.s32 s2, $0x0  }
0x151: {  	s3 =	rddreg [dreg:$0x2];
	[bflag:$0x3] =	sbarrier.arrive $0xFFFF;
	s2 =	simm.s32 @!p0 $0x1C02  }
0x152: {  	[timem:s3], [sflag:s2] =	dma.local @!p0 [hbm:s0], s1  }
0x153: {  	s0 =	simm.s32 @!p0 $0x2  }
0x154: {  	_ =	swait.ge @!p0 [sflag:s0], s1  }
0x155: {  	s1 =	ssub.s32 @!p0 $0x0, s1;
	[sflag:s0] =	ssyncset.done @!p0 $0x0  }
0x156: {  	[sflag:s0] =	ssyncadd.s32 @!p0 s1  }
0x157: {  	[bflag:$0x3] =	sbarrier.arrive $0xFFFF  }
0x158: {  	_ =	shalt  }

</sc_bundles>
